<compile_context>
chip_gen: v7x
topology: tpu7x:2x2x1
jax: 0.10.2.dev20260603
libtpu: 0.0.44.dev20260713+nightly
codegen_flags: <defaults>
</compile_context>

<pallas_src>
import functools

import jax
import jax.numpy as jnp
from jax import lax
from jax.experimental import pallas as pl
from jax.experimental.pallas import tpu as pltpu
from jax.experimental.pallas import tpu_sc as plsc

_B = 2
_N = 4096
_CH = 128
_KCH = 64
_NS = 16
_K = 8
_QP = 512
_QD = 256
_QM = 256
_GCHUNK = 256
_NW = 32


def _lrelu(x):
    return jnp.where(x > 0, x, 0.1 * x)


def _prep_body(k1t_r, k2t_r, f1_r, f2_r, x1_r, x2_r,
               W11_r, b11_r, W22_r, b22_r, Wpos_r, bpos_r,
               k1n_r, k2n_r, a1d1_r, a2d1_r, a1d2_r, a2d2_r):
    k1 = k1t_r[...]
    k2 = k2t_r[...]
    k1n_r[...] = k1 / jnp.sqrt(jnp.sum(k1 * k1, axis=-1, keepdims=True) + 1e-08)
    k2n_r[...] = k2 / jnp.sqrt(jnp.sum(k2 * k2, axis=-1, keepdims=True) + 1e-08)

    f1 = f1_r[...]
    f2 = f2_r[...]
    x1 = x1_r[...]
    x2 = x2_r[...]
    W11 = W11_r[...]
    W22 = W22_r[...]
    Wpos = Wpos_r[...]
    b11 = b11_r[...]
    b22 = b22_r[...]
    bpos = bpos_r[...]

    dn = (((1,), (1,)), ((), ()))
    t1 = lax.dot_general(f1.T, W11, dn) + b11
    t2 = lax.dot_general(f2.T, W22, dn) + b22
    t3 = lax.dot_general(f2.T, W11, dn) + b11
    t4 = lax.dot_general(f1.T, W22, dn) + b22
    p1 = lax.dot_general(x1.T, Wpos, dn)
    p2 = lax.dot_general(x2.T, Wpos, dn)
    a1d1_r[...] = t1 - p1 + bpos
    a2d1_r[...] = t2 + p2
    a1d2_r[...] = t3 - p2 + bpos
    a2d2_r[...] = t4 + p1


def _run_prep(k1t, k2t, feat1, feat2, pc1, pc2, W11, b11, W22, b22, Wpos, bpos):
    nb = _N // _QP
    qspec = pl.BlockSpec((None, _QP, _KCH), lambda b, n: (b, n, 0))
    fspec = pl.BlockSpec((None, _CH, _QP), lambda b, n: (b, 0, n))
    xspec = pl.BlockSpec((None, 3, _QP), lambda b, n: (b, 0, n))
    wspec = pl.BlockSpec((_CH, _CH), lambda b, n: (0, 0))
    wpspec = pl.BlockSpec((_CH, 3), lambda b, n: (0, 0))
    bspec = pl.BlockSpec((1, _CH), lambda b, n: (0, 0))
    ospec_k = pl.BlockSpec((None, _QP, _KCH), lambda b, n: (b, n, 0))
    ospec_a = pl.BlockSpec((None, _QP, _CH), lambda b, n: (b, n, 0))
    sd_k = jax.ShapeDtypeStruct((_B, _N, _KCH), jnp.float32)
    sd_a = jax.ShapeDtypeStruct((_B, _N, _CH), jnp.float32)
    return pl.pallas_call(
        _prep_body,
        grid=(_B, nb),
        in_specs=[qspec, qspec, fspec, fspec, xspec, xspec,
                  wspec, bspec, wspec, bspec, wpspec, bspec],
        out_specs=[ospec_k, ospec_k, ospec_a, ospec_a, ospec_a, ospec_a],
        out_shape=[sd_k, sd_k, sd_a, sd_a, sd_a, sd_a],
    )(k1t, k2t, feat1, feat2, pc1, pc2, W11, b11, W22, b22, Wpos, bpos)


def _top8_cols(d, base):
    q = d.shape[0]
    iota = lax.broadcasted_iota(jnp.int32, (q, _N), 1)
    big_i = jnp.int32(_N)
    inf = jnp.float32(jnp.inf)
    cols = []
    i = None
    for _ in range(_K):
        if i is not None:
            d = jnp.where(iota == i[:, None], inf, d)
        m = jnp.min(d, axis=1, keepdims=True)
        i = jnp.min(jnp.where(d == m, iota, big_i), axis=1)
        cols.append(i + base)
    return cols


def _dist_body(dir_off, qk_r, ck_r, qx_r, cx_r, idx_r):
    b = pl.program_id(0)
    base = (dir_off + b) * _N

    qk = qk_r[...]
    ck = ck_r[...]
    dn = (((1,), (0,)), ((), ()))
    dcos = 1.0 - lax.dot_general(qk, ck, dn)

    qx = qx_r[...]
    cx = cx_r[...]
    dsq = -2.0 * lax.dot_general(qx, cx, dn)
    dsq = dsq + jnp.sum(qx * qx, axis=1, keepdims=True)
    dsq = dsq + jnp.sum(cx * cx, axis=0, keepdims=True)

    cols = _top8_cols(dcos, base) + _top8_cols(dsq, base)
    idx_r[...] = jnp.concatenate([c[:, None] for c in cols], axis=1)


def _run_dist(qk, ck, qxt, cx, dir_off):
    nb = _N // _QD
    return pl.pallas_call(
        functools.partial(_dist_body, dir_off),
        grid=(_B, nb),
        in_specs=[
            pl.BlockSpec((None, _QD, _KCH), lambda b, n: (b, n, 0)),
            pl.BlockSpec((None, _KCH, _N), lambda b, n: (b, 0, 0)),
            pl.BlockSpec((None, _QD, 3), lambda b, n: (b, n, 0)),
            pl.BlockSpec((None, 3, _N), lambda b, n: (b, 0, 0)),
        ],
        out_specs=pl.BlockSpec((None, _QD, _NS), lambda b, n: (b, n, 0)),
        out_shape=jax.ShapeDtypeStruct((_B, _N, _NS), jnp.int32),
    )(qk, ck, qxt, cx)


_NROWS = 2 * _B * _NS * _N
_RPW = _NROWS // _NW
_NCHG = _RPW // _GCHUNK


def _sc_gather(table, idxflat):
    mesh = plsc.VectorSubcoreMesh(core_axis_name="c", subcore_axis_name="s")

    @functools.partial(
        pl.kernel, mesh=mesh,
        out_type=jax.ShapeDtypeStruct((_NROWS, _CH), jnp.float32),
        scratch_types=[
            pltpu.VMEM((_RPW,), jnp.int32),
            pltpu.VMEM((_GCHUNK, _CH), jnp.float32),
            pltpu.VMEM((_GCHUNK, _CH), jnp.float32),
            pltpu.SemaphoreType.DMA,
            pltpu.SemaphoreType.DMA,
        ],
    )
    def k(table_hbm, idx_hbm, out_hbm, idx_v, buf0, buf1, sem0, sem1):
        wid = lax.axis_index("s") * 2 + lax.axis_index("c")
        base = wid * _RPW
        pltpu.sync_copy(idx_hbm.at[pl.ds(base, _RPW)], idx_v)

        def gcopy(c, buf, sem):
            return pltpu.make_async_copy(
                table_hbm.at[idx_v.at[pl.ds(c * _GCHUNK, _GCHUNK)]], buf, sem)

        gcopy(0, buf0, sem0).start()

        def body(j, carry):
            c0 = 2 * j
            gcopy(c0, buf0, sem0).wait()
            gcopy(c0 + 1, buf1, sem1).start()
            pltpu.sync_copy(buf0, out_hbm.at[pl.ds(base + c0 * _GCHUNK, _GCHUNK)])
            gcopy(c0 + 1, buf1, sem1).wait()

            @pl.when(c0 + 2 < _NCHG)
            def _():
                gcopy(c0 + 2, buf0, sem0).start()

            pltpu.sync_copy(buf1,
                            out_hbm.at[pl.ds(base + (c0 + 1) * _GCHUNK, _GCHUNK)])
            return carry

        lax.fori_loop(0, _NCHG // 2, body, jnp.int32(0))

    return k(table, idxflat)


def _mlp_body(g_r, a1_r, Wm1_r, bm1_r, Wm2_r, bm2_r, out_r):
    a1 = a1_r[...]
    Wm1 = Wm1_r[...]
    Wm2 = Wm2_r[...]
    bm1 = bm1_r[...]
    bm2t = bm2_r[...]
    dn_nt = (((1,), (1,)), ((), ()))
    acc = None
    for s in range(_NS):
        x = _lrelu(g_r[s] + a1)
        h = _lrelu(lax.dot_general(x, Wm1, dn_nt) + bm1)
        y = _lrelu(lax.dot_general(Wm2, h, dn_nt) + bm2t)
        acc = y if acc is None else jnp.maximum(acc, y)
    out_r[...] = acc


def _run_mlp(g5, a1s, Wm1, bm1, Wm2, bm2t):
    nb = _N // _QM
    return pl.pallas_call(
        _mlp_body,
        grid=(2, _B, nb),
        in_specs=[
            pl.BlockSpec((None, None, _NS, _QM, _CH), lambda d, b, n: (d, b, 0, n, 0)),
            pl.BlockSpec((None, None, _QM, _CH), lambda d, b, n: (d, b, n, 0)),
            pl.BlockSpec((_CH, _CH), lambda d, b, n: (0, 0)),
            pl.BlockSpec((1, _CH), lambda d, b, n: (0, 0)),
            pl.BlockSpec((_CH, _CH), lambda d, b, n: (0, 0)),
            pl.BlockSpec((_CH, 1), lambda d, b, n: (0, 0)),
        ],
        out_specs=pl.BlockSpec((None, None, _CH, _QM), lambda d, b, n: (d, b, 0, n)),
        out_shape=jax.ShapeDtypeStruct((2, _B, _CH, _N), jnp.float32),
    )(g5, a1s, Wm1, bm1, Wm2, bm2t)


def kernel(pc1, pc2, feat1, feat2, knn1, knn2, W11, b11, W22, b22, Wpos, bpos, Wm1, bm1, Wm2, bm2):
    k1t = knn1.transpose(0, 2, 1)
    k2t = knn2.transpose(0, 2, 1)
    x1t = pc1.transpose(0, 2, 1)
    x2t = pc2.transpose(0, 2, 1)
    b11r = b11.reshape(1, _CH)
    b22r = b22.reshape(1, _CH)
    bposr = bpos.reshape(1, _CH)

    k1n, k2n, a1d1, a2d1, a1d2, a2d2 = _run_prep(
        k1t, k2t, feat1, feat2, pc1, pc2, W11, b11r, W22, b22r, Wpos, bposr)

    k1nT = k1n.transpose(0, 2, 1)
    k2nT = k2n.transpose(0, 2, 1)
    table = jnp.concatenate([a2d1, a2d2], axis=0).reshape(2 * _B * _N, _CH)
    idx1 = _run_dist(k1n, k2nT, x1t, pc2, 0)
    idx2 = _run_dist(k2n, k1nT, x2t, pc1, _B)
    idxs = jnp.stack([idx1, idx2], axis=0)
    idxflat = idxs.transpose(0, 1, 3, 2).reshape(_NROWS)

    g = _sc_gather(table, idxflat)
    g5 = g.reshape(2, _B, _NS, _N, _CH)

    a1s = jnp.stack([a1d1, a1d2], axis=0)
    out = _run_mlp(g5, a1s, Wm1, bm1.reshape(1, _CH), Wm2, bm2.reshape(_CH, 1))
    return (out[0], out[1])

# --- scband reference (transcript-rebuilt; emitter-appended) ---
"""Pipeline reference for scband-bidirectional-layer-feat-cosine-47373489274949 (READ-ONLY COPY).

The authoritative reference and input builder live on the scoring server;
editing this copy changes nothing except your own understanding.
"""

import jax, jax.numpy as jnp
import numpy as np

B = 2
N = 4096
IN_CH = 128
MLP = [128, 128, 128]
NSAMPLE = 16
KNN_CH = 64


def setup_inputs(seed: int = 0) -> dict:
    key = jax.random.key(seed)
    ks = jax.random.split(key, 16)
    s = 0.05
    return {
        "pc1": jax.random.normal(ks[0], (B, 3, N), jnp.float32),
        "pc2": jax.random.normal(ks[1], (B, 3, N), jnp.float32),
        "feat1": jax.random.normal(ks[2], (B, IN_CH, N), jnp.float32),
        "feat2": jax.random.normal(ks[3], (B, IN_CH, N), jnp.float32),
        "knn1": jax.random.normal(ks[4], (B, KNN_CH, N), jnp.float32),
        "knn2": jax.random.normal(ks[5], (B, KNN_CH, N), jnp.float32),
        "W11": jax.random.normal(ks[6], (MLP[0], IN_CH), jnp.float32) * s,
        "b11": jax.random.normal(ks[7], (MLP[0],), jnp.float32) * s,
        "W22": jax.random.normal(ks[8], (MLP[0], IN_CH), jnp.float32) * s,
        "b22": jax.random.normal(ks[9], (MLP[0],), jnp.float32) * s,
        "Wpos": jax.random.normal(ks[10], (MLP[0], 3), jnp.float32) * s,
        "bpos": jax.random.normal(ks[11], (MLP[0],), jnp.float32) * s,
        "Wm1": jax.random.normal(ks[12], (MLP[1], MLP[0]), jnp.float32) * s,
        "bm1": jax.random.normal(ks[13], (MLP[1],), jnp.float32) * s,
        "Wm2": jax.random.normal(ks[14], (MLP[2], MLP[1]), jnp.float32) * s,
        "bm2": jax.random.normal(ks[15], (MLP[2],), jnp.float32) * s,
    }


def _square_distance(src, dst):
    dist = -2.0 * jnp.matmul(src, dst.transpose(0, 2, 1))
    dist = dist + jnp.sum(src ** 2, -1)[:, :, None]
    dist = dist + jnp.sum(dst ** 2, -1)[:, None, :]
    return dist


def _cosine_distance(src, dst):
    src = src / jnp.sqrt(jnp.sum(src ** 2, -1, keepdims=True) + 1e-08)
    dst = dst / jnp.sqrt(jnp.sum(dst ** 2, -1, keepdims=True) + 1e-08)
    return 1.0 - jnp.matmul(src, dst.transpose(0, 2, 1))


def _knn_point(k, xyz, new_xyz):
    d = _square_distance(new_xyz, xyz)
    _, idx = jax.lax.top_k(-d, k)
    return idx


def _knn_point_cosine(k, feats, new_feats):
    d = _cosine_distance(new_feats, feats)
    _, idx = jax.lax.top_k(-d, k)
    return idx


def _gather(points, idx):
    # points [B, M, C], idx [B, S, K] -> [B, S, K, C]
    return jax.vmap(lambda p, i: p[i])(points, idx)


def _lrelu(x):
    return jnp.where(x > 0, x, 0.1 * x)


def _conv1d(x, W, b):
    return jnp.einsum('bcn,oc->bon', x, W) + b[None, :, None]


def _cross(xyz1, xyz2, points1, points2, knn1, knn2, Wpos, bpos, Wm1, bm1, Wm2, bm2):
    ns = NSAMPLE
    xyz1t = xyz1.transpose(0, 2, 1)
    xyz2t = xyz2.transpose(0, 2, 1)
    p1t = points1.transpose(0, 2, 1)
    p2t = points2.transpose(0, 2, 1)
    k1t = knn1.transpose(0, 2, 1)
    k2t = knn2.transpose(0, 2, 1)
    idx_f = _knn_point_cosine(ns // 2, k2t, k1t)
    idx_p = _knn_point(ns // 2, xyz2t, xyz1t)
    neighbor_xyz = jnp.concatenate([_gather(xyz2t, idx_f), _gather(xyz2t, idx_p)], axis=-2)  # [B,N1,ns,3]
    direction_xyz = neighbor_xyz - xyz1t[:, :, None, :]
    g2 = jnp.concatenate([
        _gather(p2t, idx_f).transpose(0, 3, 2, 1),
        _gather(p2t, idx_p).transpose(0, 3, 2, 1),
    ], axis=-2)  # [B, D, ns, N1]
    g1 = jnp.tile(p1t[:, :, None, :], (1, 1, ns, 1)).transpose(0, 3, 2, 1)  # [B, D, ns, N1]
    d = jnp.einsum('bnsc,oc->bosn', direction_xyz, Wpos) + bpos[None, :, None, None]
    new_points = _lrelu(g2 + g1 + d)
    new_points = _lrelu(jnp.einsum('bcsn,oc->bosn', new_points, Wm1) + bm1[None, :, None, None])
    new_points = _lrelu(jnp.einsum('bcsn,oc->bosn', new_points, Wm2) + bm2[None, :, None, None])
    return jnp.max(new_points, axis=2)  # [B, C_out, N1]


def reference(pc1, pc2, feat1, feat2, knn1, knn2, W11, b11, W22, b22, Wpos, bpos, Wm1, bm1, Wm2, bm2):
    f1 = _cross(pc1, pc2, _conv1d(feat1, W11, b11), _conv1d(feat2, W22, b22), knn1, knn2, Wpos, bpos, Wm1, bm1, Wm2, bm2)
    f2 = _cross(pc2, pc1, _conv1d(feat2, W11, b11), _conv1d(feat1, W22, b22), knn2, knn1, Wpos, bpos, Wm1, bm1, Wm2, bm2)
    return (f1, f2)

if __name__ == "__main__":
    import jax
    _d = setup_inputs()
    print(jax.jit(kernel)(*tuple(_d.values())))

</pallas_src>

<mosaic_0001>
#map = affine_map<(d0, d1) -> (0, 0)>
#map1 = affine_map<(d0, d1) -> (0)>
module attributes {stable_mosaic.version = 14 : i64} {
  func.func @k(%arg0: i32, %arg1: i32, %arg2: memref<16384x128xf32, #tpu.memory_space<hbm>>, %arg3: memref<262144xi32, #tpu.memory_space<hbm>>, %arg4: memref<262144x128xf32, #tpu.memory_space<hbm>>, %arg5: memref<8192xi32, #tpu.memory_space<vmem>>, %arg6: memref<256x128xf32, #tpu.memory_space<vmem>>, %arg7: memref<256x128xf32, #tpu.memory_space<vmem>>, %arg8: memref<!tpu.dma_semaphore, #tpu.memory_space<semaphore_mem>>, %arg9: memref<!tpu.dma_semaphore, #tpu.memory_space<semaphore_mem>>) attributes {dimension_semantics = [#tpu.dimension_semantics<core_parallel>, #tpu.dimension_semantics<subcore_parallel>], iteration_bounds = array<i64: 2, 16>, scalar_prefetch = 0 : i64, scratch_operands = 5 : i64, tpu.core_type = #tpu.core_type<sc_vector_subcore>, window_params = [{transform_indices = #map}, {transform_indices = #map1}, {transform_indices = #map}]} {
    %mul3A = arith.constant 2 : i32
    %mul3A_0 = arith.muli %arg1, %mul3A : i32
    %add3A = arith.addi %mul3A_0, %arg0 : i32
    %mul3A_1 = arith.constant 8192 : i32
    %mul3A_2 = arith.muli %add3A, %mul3A_1 : i32
    "tpu.region"() ({
      %run_scoped3A = tpu.sem_alloc : memref<!tpu.dma_semaphore, #tpu.memory_space<semaphore_mem>>
      %dma_start3A_12 = tpu.memref_slice %arg3[%mul3A_2] : memref<262144xi32, #tpu.memory_space<hbm>> -> memref<8192xi32, #tpu.memory_space<hbm>>
      %dma_start3A_13 = tpu.memref_slice %arg3[%mul3A_2] : memref<262144xi32, #tpu.memory_space<hbm>> -> memref<8192xi32, #tpu.memory_space<hbm>>
      tpu.enqueue_dma source(%dma_start3A_13 : memref<8192xi32, #tpu.memory_space<hbm>>) target(%arg5 : memref<8192xi32, #tpu.memory_space<vmem>>) target_semaphore(%run_scoped3A : memref<!tpu.dma_semaphore, #tpu.memory_space<semaphore_mem>>)
      %dma_wait3A = tpu.memref_slice %arg3[%mul3A_2] : memref<262144xi32, #tpu.memory_space<hbm>> -> memref<8192xi32, #tpu.memory_space<hbm>>
      %dma_wait3A_14 = tpu.memref_slice %arg3[%mul3A_2] : memref<262144xi32, #tpu.memory_space<hbm>> -> memref<8192xi32, #tpu.memory_space<hbm>>
      tpu.wait_dma2 semaphore(%run_scoped3A : memref<!tpu.dma_semaphore, #tpu.memory_space<semaphore_mem>>) src(%dma_wait3A_14 : memref<8192xi32, #tpu.memory_space<hbm>>) dst(%arg5 : memref<8192xi32, #tpu.memory_space<vmem>>)
      tpu.yield
    }) : () -> ()
    %dma_start3A = arith.constant 0 : i32
    %dma_start3A_3 = tpu.memref_slice %arg5[%dma_start3A] : memref<8192xi32, #tpu.memory_space<vmem>> -> memref<256xi32, #tpu.memory_space<vmem>>
    %dma_start3A_4 = arith.constant 0 : i32
    %dma_start3A_5 = arith.constant 0 : i32
    %dma_start3A_6 = tpu.memref_slice %arg2[%dma_start3A_4, %dma_start3A_5] : memref<16384x128xf32, #tpu.memory_space<hbm>> -> memref<16384x128xf32, #tpu.memory_space<hbm>>
    tpu.enqueue_indirect_dma source(%dma_start3A_6 : memref<16384x128xf32, #tpu.memory_space<hbm>>) target(%arg6 : memref<256x128xf32, #tpu.memory_space<vmem>>) offsets(%dma_start3A_3 : memref<256xi32, #tpu.memory_space<vmem>>) semaphore(%arg8 : memref<!tpu.dma_semaphore, #tpu.memory_space<semaphore_mem>>)
    %scan3A = arith.constant 0 : i32
    %scan3A_7 = arith.constant 0 : i32
    %scan3A_8 = arith.constant 16 : i32
    %scan3A_9 = arith.addi %scan3A_7, %scan3A_8 : i32
    %scan3A_10 = arith.constant 1 : i32
    scf.for %scan3A_12 = %scan3A_7 to %scan3A_9 step %scan3A_10  : i32 {
      %mul3A_13 = arith.constant 2 : i32
      %mul3A_14 = arith.muli %mul3A_13, %scan3A_12 : i32
      %mul3A_15 = arith.constant 256 : i32
      %mul3A_16 = arith.muli %mul3A_14, %mul3A_15 : i32
      %dma_wait3A = tpu.memref_slice %arg5[%mul3A_16] : memref<8192xi32, #tpu.memory_space<vmem>> -> memref<256xi32, #tpu.memory_space<vmem>>
      %dma_wait3A_17 = arith.constant 0 : i32
      %dma_wait3A_18 = arith.constant 0 : i32
      %dma_wait3A_19 = tpu.memref_slice %arg2[%dma_wait3A_17, %dma_wait3A_18] : memref<16384x128xf32, #tpu.memory_space<hbm>> -> memref<16384x128xf32, #tpu.memory_space<hbm>>
      tpu.wait_indirect_dma semaphore(%arg8 : memref<!tpu.dma_semaphore, #tpu.memory_space<semaphore_mem>>) src(%dma_wait3A_19 : memref<16384x128xf32, #tpu.memory_space<hbm>>) dst(%arg6 : memref<256x128xf32, #tpu.memory_space<vmem>>)
      %add3A_20 = arith.constant 1 : i32
      %add3A_21 = arith.addi %mul3A_14, %add3A_20 : i32
      %mul3A_22 = arith.constant 256 : i32
      %mul3A_23 = arith.muli %add3A_21, %mul3A_22 : i32
      %dma_start3A_24 = tpu.memref_slice %arg5[%mul3A_23] : memref<8192xi32, #tpu.memory_space<vmem>> -> memref<256xi32, #tpu.memory_space<vmem>>
      %dma_start3A_25 = arith.constant 0 : i32
      %dma_start3A_26 = arith.constant 0 : i32
      %dma_start3A_27 = tpu.memref_slice %arg2[%dma_start3A_25, %dma_start3A_26] : memref<16384x128xf32, #tpu.memory_space<hbm>> -> memref<16384x128xf32, #tpu.memory_space<hbm>>
      tpu.enqueue_indirect_dma source(%dma_start3A_27 : memref<16384x128xf32, #tpu.memory_space<hbm>>) target(%arg7 : memref<256x128xf32, #tpu.memory_space<vmem>>) offsets(%dma_start3A_24 : memref<256xi32, #tpu.memory_space<vmem>>) semaphore(%arg9 : memref<!tpu.dma_semaphore, #tpu.memory_space<semaphore_mem>>)
      %mul3A_28 = arith.constant 256 : i32
      %mul3A_29 = arith.muli %mul3A_14, %mul3A_28 : i32
      %add3A_30 = arith.addi %mul3A_2, %mul3A_29 : i32
      "tpu.region"() ({
        %run_scoped3A = tpu.sem_alloc : memref<!tpu.dma_semaphore, #tpu.memory_space<semaphore_mem>>
        %dma_start3A_48 = arith.constant 0 : i32
        %dma_start3A_49 = tpu.memref_slice %arg4[%add3A_30, %dma_start3A_48] : memref<262144x128xf32, #tpu.memory_space<hbm>> -> memref<256x128xf32, #tpu.memory_space<hbm>>
        %dma_start3A_50 = arith.constant 0 : i32
        %dma_start3A_51 = tpu.memref_slice %arg4[%add3A_30, %dma_start3A_50] : memref<262144x128xf32, #tpu.memory_space<hbm>> -> memref<256x128xf32, #tpu.memory_space<hbm>>
        tpu.enqueue_dma source(%arg6 : memref<256x128xf32, #tpu.memory_space<vmem>>) target(%dma_start3A_51 : memref<256x128xf32, #tpu.memory_space<hbm>>) target_semaphore(%run_scoped3A : memref<!tpu.dma_semaphore, #tpu.memory_space<semaphore_mem>>)
        %dma_wait3A_52 = arith.constant 0 : i32
        %dma_wait3A_53 = tpu.memref_slice %arg4[%add3A_30, %dma_wait3A_52] : memref<262144x128xf32, #tpu.memory_space<hbm>> -> memref<256x128xf32, #tpu.memory_space<hbm>>
        %dma_wait3A_54 = arith.constant 0 : i32
        %dma_wait3A_55 = tpu.memref_slice %arg4[%add3A_30, %dma_wait3A_54] : memref<262144x128xf32, #tpu.memory_space<hbm>> -> memref<256x128xf32, #tpu.memory_space<hbm>>
        tpu.wait_dma2 semaphore(%run_scoped3A : memref<!tpu.dma_semaphore, #tpu.memory_space<semaphore_mem>>) src(%arg6 : memref<256x128xf32, #tpu.memory_space<vmem>>) dst(%dma_wait3A_55 : memref<256x128xf32, #tpu.memory_space<hbm>>)
        tpu.yield
      }) : () -> ()
      %add3A_31 = arith.constant 1 : i32
      %add3A_32 = arith.addi %mul3A_14, %add3A_31 : i32
      %mul3A_33 = arith.constant 256 : i32
      %mul3A_34 = arith.muli %add3A_32, %mul3A_33 : i32
      %dma_wait3A_35 = tpu.memref_slice %arg5[%mul3A_34] : memref<8192xi32, #tpu.memory_space<vmem>> -> memref<256xi32, #tpu.memory_space<vmem>>
      %dma_wait3A_36 = arith.constant 0 : i32
      %dma_wait3A_37 = arith.constant 0 : i32
      %dma_wait3A_38 = tpu.memref_slice %arg2[%dma_wait3A_36, %dma_wait3A_37] : memref<16384x128xf32, #tpu.memory_space<hbm>> -> memref<16384x128xf32, #tpu.memory_space<hbm>>
      tpu.wait_indirect_dma semaphore(%arg9 : memref<!tpu.dma_semaphore, #tpu.memory_space<semaphore_mem>>) src(%dma_wait3A_38 : memref<16384x128xf32, #tpu.memory_space<hbm>>) dst(%arg7 : memref<256x128xf32, #tpu.memory_space<vmem>>)
      %add3A_39 = arith.constant 2 : i32
      %add3A_40 = arith.addi %mul3A_14, %add3A_39 : i32
      %lt3A = arith.constant 32 : i32
      %lt3A_41 = arith.cmpi slt, %add3A_40, %lt3A : i32
      %convert_element_type3A = arith.extui %lt3A_41 : i1 to i32
      %cond3A = arith.constant 0 : i32
      %cond3A_42 = arith.cmpi ne, %convert_element_type3A, %cond3A : i32
      scf.if %cond3A_42 {
        %add3A_48 = arith.constant 2 : i32
        %add3A_49 = arith.addi %mul3A_14, %add3A_48 : i32
        %mul3A_50 = arith.constant 256 : i32
        %mul3A_51 = arith.muli %add3A_49, %mul3A_50 : i32
        %dma_start3A_52 = tpu.memref_slice %arg5[%mul3A_51] : memref<8192xi32, #tpu.memory_space<vmem>> -> memref<256xi32, #tpu.memory_space<vmem>>
        %dma_start3A_53 = arith.constant 0 : i32
        %dma_start3A_54 = arith.constant 0 : i32
        %dma_start3A_55 = tpu.memref_slice %arg2[%dma_start3A_53, %dma_start3A_54] : memref<16384x128xf32, #tpu.memory_space<hbm>> -> memref<16384x128xf32, #tpu.memory_space<hbm>>
        tpu.enqueue_indirect_dma source(%dma_start3A_55 : memref<16384x128xf32, #tpu.memory_space<hbm>>) target(%arg6 : memref<256x128xf32, #tpu.memory_space<vmem>>) offsets(%dma_start3A_52 : memref<256xi32, #tpu.memory_space<vmem>>) semaphore(%arg8 : memref<!tpu.dma_semaphore, #tpu.memory_space<semaphore_mem>>)
      } else {
      }
      %add3A_43 = arith.constant 1 : i32
      %add3A_44 = arith.addi %mul3A_14, %add3A_43 : i32
      %mul3A_45 = arith.constant 256 : i32
      %mul3A_46 = arith.muli %add3A_44, %mul3A_45 : i32
      %add3A_47 = arith.addi %mul3A_2, %mul3A_46 : i32
      "tpu.region"() ({
        %run_scoped3A = tpu.sem_alloc : memref<!tpu.dma_semaphore, #tpu.memory_space<semaphore_mem>>
        %dma_start3A_48 = arith.constant 0 : i32
        %dma_start3A_49 = tpu.memref_slice %arg4[%add3A_47, %dma_start3A_48] : memref<262144x128xf32, #tpu.memory_space<hbm>> -> memref<256x128xf32, #tpu.memory_space<hbm>>
        %dma_start3A_50 = arith.constant 0 : i32
        %dma_start3A_51 = tpu.memref_slice %arg4[%add3A_47, %dma_start3A_50] : memref<262144x128xf32, #tpu.memory_space<hbm>> -> memref<256x128xf32, #tpu.memory_space<hbm>>
        tpu.enqueue_dma source(%arg7 : memref<256x128xf32, #tpu.memory_space<vmem>>) target(%dma_start3A_51 : memref<256x128xf32, #tpu.memory_space<hbm>>) target_semaphore(%run_scoped3A : memref<!tpu.dma_semaphore, #tpu.memory_space<semaphore_mem>>)
        %dma_wait3A_52 = arith.constant 0 : i32
        %dma_wait3A_53 = tpu.memref_slice %arg4[%add3A_47, %dma_wait3A_52] : memref<262144x128xf32, #tpu.memory_space<hbm>> -> memref<256x128xf32, #tpu.memory_space<hbm>>
        %dma_wait3A_54 = arith.constant 0 : i32
        %dma_wait3A_55 = tpu.memref_slice %arg4[%add3A_47, %dma_wait3A_54] : memref<262144x128xf32, #tpu.memory_space<hbm>> -> memref<256x128xf32, #tpu.memory_space<hbm>>
        tpu.wait_dma2 semaphore(%run_scoped3A : memref<!tpu.dma_semaphore, #tpu.memory_space<semaphore_mem>>) src(%arg7 : memref<256x128xf32, #tpu.memory_space<vmem>>) dst(%dma_wait3A_55 : memref<256x128xf32, #tpu.memory_space<hbm>>)
        tpu.yield
      }) : () -> ()
    }
    %scan3A_11 = arith.constant 16 : i32
    return
  }
}

module attributes {stable_mosaic.version = 14 : i64} {
  func.func @_prep_body(%arg0: i32, %arg1: i32, %arg2: memref<1x512x64xf32, #tpu.memory_space<vmem>>, %arg3: memref<1x512x64xf32, #tpu.memory_space<vmem>>, %arg4: memref<1x128x512xf32, #tpu.memory_space<vmem>>, %arg5: memref<1x128x512xf32, #tpu.memory_space<vmem>>, %arg6: memref<1x3x512xf32, #tpu.memory_space<vmem>>, %arg7: memref<1x3x512xf32, #tpu.memory_space<vmem>>, %arg8: memref<128x128xf32, #tpu.memory_space<vmem>>, %arg9: memref<1x128xf32, #tpu.memory_space<vmem>>, %arg10: memref<128x128xf32, #tpu.memory_space<vmem>>, %arg11: memref<1x128xf32, #tpu.memory_space<vmem>>, %arg12: memref<128x3xf32, #tpu.memory_space<vmem>>, %arg13: memref<1x128xf32, #tpu.memory_space<vmem>>, %arg14: memref<1x512x64xf32, #tpu.memory_space<vmem>>, %arg15: memref<1x512x64xf32, #tpu.memory_space<vmem>>, %arg16: memref<1x512x128xf32, #tpu.memory_space<vmem>>, %arg17: memref<1x512x128xf32, #tpu.memory_space<vmem>>, %arg18: memref<1x512x128xf32, #tpu.memory_space<vmem>>, %arg19: memref<1x512x128xf32, #tpu.memory_space<vmem>>) attributes {dimension_semantics = [#tpu.dimension_semantics<arbitrary>, #tpu.dimension_semantics<arbitrary>], iteration_bounds = array<i64: 2, 8>, scalar_prefetch = 0 : i64, scratch_operands = 0 : i64, tpu.core_type = #tpu.core_type<tc>, window_params = [{transform_indices = @transform_0, window_bounds = array<i64: 1, 512, 64>}, {transform_indices = @transform_1, window_bounds = array<i64: 1, 512, 64>}, {transform_indices = @transform_2, window_bounds = array<i64: 1, 128, 512>}, {transform_indices = @transform_3, window_bounds = array<i64: 1, 128, 512>}, {transform_indices = @transform_4, window_bounds = array<i64: 1, 3, 512>}, {transform_indices = @transform_5, window_bounds = array<i64: 1, 3, 512>}, {pipeline_mode = #tpu.pipeline_mode<synchronous>, transform_indices = @transform_6, window_bounds = array<i64: 128, 128>}, {pipeline_mode = #tpu.pipeline_mode<synchronous>, transform_indices = @transform_7, window_bounds = array<i64: 1, 128>}, {pipeline_mode = #tpu.pipeline_mode<synchronous>, transform_indices = @transform_8, window_bounds = array<i64: 128, 128>}, {pipeline_mode = #tpu.pipeline_mode<synchronous>, transform_indices = @transform_9, window_bounds = array<i64: 1, 128>}, {pipeline_mode = #tpu.pipeline_mode<synchronous>, transform_indices = @transform_10, window_bounds = array<i64: 128, 3>}, {pipeline_mode = #tpu.pipeline_mode<synchronous>, transform_indices = @transform_11, window_bounds = array<i64: 1, 128>}, {transform_indices = @transform_12, window_bounds = array<i64: 1, 512, 64>}, {transform_indices = @transform_13, window_bounds = array<i64: 1, 512, 64>}, {transform_indices = @transform_14, window_bounds = array<i64: 1, 512, 128>}, {transform_indices = @transform_15, window_bounds = array<i64: 1, 512, 128>}, {transform_indices = @transform_16, window_bounds = array<i64: 1, 512, 128>}, {transform_indices = @transform_17, window_bounds = array<i64: 1, 512, 128>}]} {
    %get3A = arith.constant 0 : index
    %get3A_0 = arith.constant 0 : index
    %get3A_1 = arith.constant 0 : index
    %get3A_2 = vector.load %arg2[%get3A, %get3A_0, %get3A_1] : memref<1x512x64xf32, #tpu.memory_space<vmem>>, vector<1x512x64xf32>
    %get3A_3 = vector.shape_cast %get3A_2 : vector<1x512x64xf32> to vector<512x64xf32>
    %get3A_4 = arith.constant 0 : index
    %get3A_5 = arith.constant 0 : index
    %get3A_6 = arith.constant 0 : index
    %get3A_7 = vector.load %arg3[%get3A_4, %get3A_5, %get3A_6] : memref<1x512x64xf32, #tpu.memory_space<vmem>>, vector<1x512x64xf32>
    %get3A_8 = vector.shape_cast %get3A_7 : vector<1x512x64xf32> to vector<512x64xf32>
    %mul3A = arith.mulf %get3A_3, %get3A_3 : vector<512x64xf32>
    %reduce_sum3A = arith.constant dense<0.000000e+00> : vector<512xf32>
    %reduce_sum3A_9 = vector.multi_reduction <add>, %mul3A, %reduce_sum3A [1] : vector<512x64xf32> to vector<512xf32>
    %broadcast_in_dim3A = vector.shape_cast %reduce_sum3A_9 : vector<512xf32> to vector<512x1xf32>
    %add3A = arith.constant 9.99999993E-9 : f32
    %add3A_10 = vector.broadcast %add3A : f32 to vector<512x1xf32>
    %add3A_11 = arith.addf %broadcast_in_dim3A, %add3A_10 : vector<512x1xf32>
    %sqrt3A = math.sqrt %add3A_11 : vector<512x1xf32>
    %div3A = vector.broadcast %sqrt3A : vector<512x1xf32> to vector<512x64xf32>
    %div3A_12 = arith.divf %get3A_3, %div3A : vector<512x64xf32>
    %swap3A = arith.constant 0 : index
    %swap3A_13 = arith.constant 0 : index
    %swap3A_14 = arith.constant 0 : index
    %swap3A_15 = vector.load %arg14[%swap3A, %swap3A_13, %swap3A_14] : memref<1x512x64xf32, #tpu.memory_space<vmem>>, vector<1x512x64xf32>
    %swap3A_16 = vector.shape_cast %swap3A_15 : vector<1x512x64xf32> to vector<512x64xf32>
    %swap3A_17 = vector.shape_cast %div3A_12 : vector<512x64xf32> to vector<1x512x64xf32>
    tpu.vector_store %arg14[%swap3A, %swap3A_13, %swap3A_14], %swap3A_17 {strides = array<i32>} : memref<1x512x64xf32, #tpu.memory_space<vmem>>, vector<1x512x64xf32>,
    %mul3A_18 = arith.mulf %get3A_8, %get3A_8 : vector<512x64xf32>
    %reduce_sum3A_19 = arith.constant dense<0.000000e+00> : vector<512xf32>
    %reduce_sum3A_20 = vector.multi_reduction <add>, %mul3A_18, %reduce_sum3A_19 [1] : vector<512x64xf32> to vector<512xf32>
    %broadcast_in_dim3A_21 = vector.shape_cast %reduce_sum3A_20 : vector<512xf32> to vector<512x1xf32>
    %add3A_22 = arith.constant 9.99999993E-9 : f32
    %add3A_23 = vector.broadcast %add3A_22 : f32 to vector<512x1xf32>
    %add3A_24 = arith.addf %broadcast_in_dim3A_21, %add3A_23 : vector<512x1xf32>
    %sqrt3A_25 = math.sqrt %add3A_24 : vector<512x1xf32>
    %div3A_26 = vector.broadcast %sqrt3A_25 : vector<512x1xf32> to vector<512x64xf32>
    %div3A_27 = arith.divf %get3A_8, %div3A_26 : vector<512x64xf32>
    %swap3A_28 = arith.constant 0 : index
    %swap3A_29 = arith.constant 0 : index
    %swap3A_30 = arith.constant 0 : index
    %swap3A_31 = vector.load %arg15[%swap3A_28, %swap3A_29, %swap3A_30] : memref<1x512x64xf32, #tpu.memory_space<vmem>>, vector<1x512x64xf32>
    %swap3A_32 = vector.shape_cast %swap3A_31 : vector<1x512x64xf32> to vector<512x64xf32>
    %swap3A_33 = vector.shape_cast %div3A_27 : vector<512x64xf32> to vector<1x512x64xf32>
    tpu.vector_store %arg15[%swap3A_28, %swap3A_29, %swap3A_30], %swap3A_33 {strides = array<i32>} : memref<1x512x64xf32, #tpu.memory_space<vmem>>, vector<1x512x64xf32>,
    %get3A_34 = arith.constant 0 : index
    %get3A_35 = arith.constant 0 : index
    %get3A_36 = arith.constant 0 : index
    %get3A_37 = vector.load %arg4[%get3A_34, %get3A_35, %get3A_36] : memref<1x128x512xf32, #tpu.memory_space<vmem>>, vector<1x128x512xf32>
    %get3A_38 = vector.shape_cast %get3A_37 : vector<1x128x512xf32> to vector<128x512xf32>
    %get3A_39 = arith.constant 0 : index
    %get3A_40 = arith.constant 0 : index
    %get3A_41 = arith.constant 0 : index
    %get3A_42 = vector.load %arg5[%get3A_39, %get3A_40, %get3A_41] : memref<1x128x512xf32, #tpu.memory_space<vmem>>, vector<1x128x512xf32>
    %get3A_43 = vector.shape_cast %get3A_42 : vector<1x128x512xf32> to vector<128x512xf32>
    %get3A_44 = arith.constant 0 : index
    %get3A_45 = arith.constant 0 : index
    %get3A_46 = arith.constant 0 : index
    %get3A_47 = vector.load %arg6[%get3A_44, %get3A_45, %get3A_46] : memref<1x3x512xf32, #tpu.memory_space<vmem>>, vector<1x3x512xf32>
    %get3A_48 = vector.shape_cast %get3A_47 : vector<1x3x512xf32> to vector<3x512xf32>
    %get3A_49 = arith.constant 0 : index
    %get3A_50 = arith.constant 0 : index
    %get3A_51 = arith.constant 0 : index
    %get3A_52 = vector.load %arg7[%get3A_49, %get3A_50, %get3A_51] : memref<1x3x512xf32, #tpu.memory_space<vmem>>, vector<1x3x512xf32>
    %get3A_53 = vector.shape_cast %get3A_52 : vector<1x3x512xf32> to vector<3x512xf32>
    %get3A_54 = arith.constant 0 : index
    %get3A_55 = arith.constant 0 : index
    %get3A_56 = vector.load %arg8[%get3A_54, %get3A_55] : memref<128x128xf32, #tpu.memory_space<vmem>>, vector<128x128xf32>
    %get3A_57 = arith.constant 0 : index
    %get3A_58 = arith.constant 0 : index
    %get3A_59 = vector.load %arg10[%get3A_57, %get3A_58] : memref<128x128xf32, #tpu.memory_space<vmem>>, vector<128x128xf32>
    %get3A_60 = arith.constant 0 : index
    %get3A_61 = arith.constant 0 : index
    %get3A_62 = vector.load %arg12[%get3A_60, %get3A_61] : memref<128x3xf32, #tpu.memory_space<vmem>>, vector<128x3xf32>
    %get3A_63 = arith.constant 0 : index
    %get3A_64 = arith.constant 0 : index
    %get3A_65 = vector.load %arg9[%get3A_63, %get3A_64] : memref<1x128xf32, #tpu.memory_space<vmem>>, vector<1x128xf32>
    %get3A_66 = arith.constant 0 : index
    %get3A_67 = arith.constant 0 : index
    %get3A_68 = vector.load %arg11[%get3A_66, %get3A_67] : memref<1x128xf32, #tpu.memory_space<vmem>>, vector<1x128xf32>
    %get3A_69 = arith.constant 0 : index
    %get3A_70 = arith.constant 0 : index
    %get3A_71 = vector.load %arg13[%get3A_69, %get3A_70] : memref<1x128xf32, #tpu.memory_space<vmem>>, vector<1x128xf32>
    %transpose3A = tpu.transpose %get3A_38, [1, 0] : vector<128x512xf32> -> vector<512x128xf32>
    %dot_general3A = arith.constant dense<0.000000e+00> : vector<512x128xf32>
    %dot_general3A_72 = tpu.matmul %transpose3A, %get3A_56, %dot_general3A {dimension_numbers = #tpu.dot_dimension_numbers<[1], [1], [0], [0], [0, 0, 1, 0], [], []>, transpose_lhs_hint = false} : vector<512x128xf32>, vector<128x128xf32>, vector<512x128xf32> -> vector<512x128xf32>
    %add3A_73 = vector.broadcast %get3A_65 : vector<1x128xf32> to vector<512x128xf32>
    %add3A_74 = arith.addf %dot_general3A_72, %add3A_73 : vector<512x128xf32>
    %transpose3A_75 = tpu.transpose %get3A_43, [1, 0] : vector<128x512xf32> -> vector<512x128xf32>
    %dot_general3A_76 = arith.constant dense<0.000000e+00> : vector<512x128xf32>
    %dot_general3A_77 = tpu.matmul %transpose3A_75, %get3A_59, %dot_general3A_76 {dimension_numbers = #tpu.dot_dimension_numbers<[1], [1], [0], [0], [0, 0, 1, 0], [], []>, transpose_lhs_hint = false} : vector<512x128xf32>, vector<128x128xf32>, vector<512x128xf32> -> vector<512x128xf32>
    %add3A_78 = vector.broadcast %get3A_68 : vector<1x128xf32> to vector<512x128xf32>
    %add3A_79 = arith.addf %dot_general3A_77, %add3A_78 : vector<512x128xf32>
    %transpose3A_80 = tpu.transpose %get3A_43, [1, 0] : vector<128x512xf32> -> vector<512x128xf32>
    %dot_general3A_81 = arith.constant dense<0.000000e+00> : vector<512x128xf32>
    %dot_general3A_82 = tpu.matmul %transpose3A_80, %get3A_56, %dot_general3A_81 {dimension_numbers = #tpu.dot_dimension_numbers<[1], [1], [0], [0], [0, 0, 1, 0], [], []>, transpose_lhs_hint = false} : vector<512x128xf32>, vector<128x128xf32>, vector<512x128xf32> -> vector<512x128xf32>
    %add3A_83 = vector.broadcast %get3A_65 : vector<1x128xf32> to vector<512x128xf32>
    %add3A_84 = arith.addf %dot_general3A_82, %add3A_83 : vector<512x128xf32>
    %transpose3A_85 = tpu.transpose %get3A_38, [1, 0] : vector<128x512xf32> -> vector<512x128xf32>
    %dot_general3A_86 = arith.constant dense<0.000000e+00> : vector<512x128xf32>
    %dot_general3A_87 = tpu.matmul %transpose3A_85, %get3A_59, %dot_general3A_86 {dimension_numbers = #tpu.dot_dimension_numbers<[1], [1], [0], [0], [0, 0, 1, 0], [], []>, transpose_lhs_hint = false} : vector<512x128xf32>, vector<128x128xf32>, vector<512x128xf32> -> vector<512x128xf32>
    %add3A_88 = vector.broadcast %get3A_68 : vector<1x128xf32> to vector<512x128xf32>
    %add3A_89 = arith.addf %dot_general3A_87, %add3A_88 : vector<512x128xf32>
    %transpose3A_90 = tpu.transpose %get3A_48, [1, 0] : vector<3x512xf32> -> vector<512x3xf32>
    %dot_general3A_91 = arith.constant dense<0.000000e+00> : vector<512x128xf32>
    %dot_general3A_92 = tpu.matmul %transpose3A_90, %get3A_62, %dot_general3A_91 {dimension_numbers = #tpu.dot_dimension_numbers<[1], [1], [0], [0], [0, 0, 1, 0], [], []>, transpose_lhs_hint = false} : vector<512x3xf32>, vector<128x3xf32>, vector<512x128xf32> -> vector<512x128xf32>
    %transpose3A_93 = tpu.transpose %get3A_53, [1, 0] : vector<3x512xf32> -> vector<512x3xf32>
    %dot_general3A_94 = arith.constant dense<0.000000e+00> : vector<512x128xf32>
    %dot_general3A_95 = tpu.matmul %transpose3A_93, %get3A_62, %dot_general3A_94 {dimension_numbers = #tpu.dot_dimension_numbers<[1], [1], [0], [0], [0, 0, 1, 0], [], []>, transpose_lhs_hint = false} : vector<512x3xf32>, vector<128x3xf32>, vector<512x128xf32> -> vector<512x128xf32>
    %sub3A = arith.subf %add3A_74, %dot_general3A_92 : vector<512x128xf32>
    %add3A_96 = vector.broadcast %get3A_71 : vector<1x128xf32> to vector<512x128xf32>
    %add3A_97 = arith.addf %sub3A, %add3A_96 : vector<512x128xf32>
    %swap3A_98 = arith.constant 0 : index
    %swap3A_99 = arith.constant 0 : index
    %swap3A_100 = arith.constant 0 : index
    %swap3A_101 = vector.load %arg16[%swap3A_98, %swap3A_99, %swap3A_100] : memref<1x512x128xf32, #tpu.memory_space<vmem>>, vector<1x512x128xf32>
    %swap3A_102 = vector.shape_cast %swap3A_101 : vector<1x512x128xf32> to vector<512x128xf32>
    %swap3A_103 = vector.shape_cast %add3A_97 : vector<512x128xf32> to vector<1x512x128xf32>
    tpu.vector_store %arg16[%swap3A_98, %swap3A_99, %swap3A_100], %swap3A_103 {strides = array<i32>} : memref<1x512x128xf32, #tpu.memory_space<vmem>>, vector<1x512x128xf32>,
    %add3A_104 = arith.addf %add3A_79, %dot_general3A_95 : vector<512x128xf32>
    %swap3A_105 = arith.constant 0 : index
    %swap3A_106 = arith.constant 0 : index
    %swap3A_107 = arith.constant 0 : index
    %swap3A_108 = vector.load %arg17[%swap3A_105, %swap3A_106, %swap3A_107] : memref<1x512x128xf32, #tpu.memory_space<vmem>>, vector<1x512x128xf32>
    %swap3A_109 = vector.shape_cast %swap3A_108 : vector<1x512x128xf32> to vector<512x128xf32>
    %swap3A_110 = vector.shape_cast %add3A_104 : vector<512x128xf32> to vector<1x512x128xf32>
    tpu.vector_store %arg17[%swap3A_105, %swap3A_106, %swap3A_107], %swap3A_110 {strides = array<i32>} : memref<1x512x128xf32, #tpu.memory_space<vmem>>, vector<1x512x128xf32>,
    %sub3A_111 = arith.subf %add3A_84, %dot_general3A_95 : vector<512x128xf32>
    %add3A_112 = vector.broadcast %get3A_71 : vector<1x128xf32> to vector<512x128xf32>
    %add3A_113 = arith.addf %sub3A_111, %add3A_112 : vector<512x128xf32>
    %swap3A_114 = arith.constant 0 : index
    %swap3A_115 = arith.constant 0 : index
    %swap3A_116 = arith.constant 0 : index
    %swap3A_117 = vector.load %arg18[%swap3A_114, %swap3A_115, %swap3A_116] : memref<1x512x128xf32, #tpu.memory_space<vmem>>, vector<1x512x128xf32>
    %swap3A_118 = vector.shape_cast %swap3A_117 : vector<1x512x128xf32> to vector<512x128xf32>
    %swap3A_119 = vector.shape_cast %add3A_113 : vector<512x128xf32> to vector<1x512x128xf32>
    tpu.vector_store %arg18[%swap3A_114, %swap3A_115, %swap3A_116], %swap3A_119 {strides = array<i32>} : memref<1x512x128xf32, #tpu.memory_space<vmem>>, vector<1x512x128xf32>,
    %add3A_120 = arith.addf %add3A_89, %dot_general3A_92 : vector<512x128xf32>
    %swap3A_121 = arith.constant 0 : index
    %swap3A_122 = arith.constant 0 : index
    %swap3A_123 = arith.constant 0 : index
    %swap3A_124 = vector.load %arg19[%swap3A_121, %swap3A_122, %swap3A_123] : memref<1x512x128xf32, #tpu.memory_space<vmem>>, vector<1x512x128xf32>
    %swap3A_125 = vector.shape_cast %swap3A_124 : vector<1x512x128xf32> to vector<512x128xf32>
    %swap3A_126 = vector.shape_cast %add3A_120 : vector<512x128xf32> to vector<1x512x128xf32>
    tpu.vector_store %arg19[%swap3A_121, %swap3A_122, %swap3A_123], %swap3A_126 {strides = array<i32>} : memref<1x512x128xf32, #tpu.memory_space<vmem>>, vector<1x512x128xf32>,
    return
  }
  func.func @transform_0(%arg0: i32, %arg1: i32) -> (i32, i32, i32) {
    %c0_i32 = arith.constant 0 : i32
    %c0_i32_0 = arith.constant 0 : i32
    return %arg0, %arg1, %c0_i32 : i32, i32, i32
  }
  func.func @transform_1(%arg0: i32, %arg1: i32) -> (i32, i32, i32) {
    %c0_i32 = arith.constant 0 : i32
    %c0_i32_0 = arith.constant 0 : i32
    return %arg0, %arg1, %c0_i32 : i32, i32, i32
  }
  func.func @transform_2(%arg0: i32, %arg1: i32) -> (i32, i32, i32) {
    %c0_i32 = arith.constant 0 : i32
    %c0_i32_0 = arith.constant 0 : i32
    return %arg0, %c0_i32, %arg1 : i32, i32, i32
  }
  func.func @transform_3(%arg0: i32, %arg1: i32) -> (i32, i32, i32) {
    %c0_i32 = arith.constant 0 : i32
    %c0_i32_0 = arith.constant 0 : i32
    return %arg0, %c0_i32, %arg1 : i32, i32, i32
  }
  func.func @transform_4(%arg0: i32, %arg1: i32) -> (i32, i32, i32) {
    %c0_i32 = arith.constant 0 : i32
    %c0_i32_0 = arith.constant 0 : i32
    return %arg0, %c0_i32, %arg1 : i32, i32, i32
  }
  func.func @transform_5(%arg0: i32, %arg1: i32) -> (i32, i32, i32) {
    %c0_i32 = arith.constant 0 : i32
    %c0_i32_0 = arith.constant 0 : i32
    return %arg0, %c0_i32, %arg1 : i32, i32, i32
  }
  func.func @transform_6(%arg0: i32, %arg1: i32) -> (i32, i32) {
    %c0_i32 = arith.constant 0 : i32
    %c0_i32_0 = arith.constant 0 : i32
    %c0_i32_1 = arith.constant 0 : i32
    return %c0_i32, %c0_i32_0 : i32, i32
  }
  func.func @transform_7(%arg0: i32, %arg1: i32) -> (i32, i32) {
    %c0_i32 = arith.constant 0 : i32
    %c0_i32_0 = arith.constant 0 : i32
    %c0_i32_1 = arith.constant 0 : i32
    return %c0_i32, %c0_i32_0 : i32, i32
  }
  func.func @transform_8(%arg0: i32, %arg1: i32) -> (i32, i32) {
    %c0_i32 = arith.constant 0 : i32
    %c0_i32_0 = arith.constant 0 : i32
    %c0_i32_1 = arith.constant 0 : i32
    return %c0_i32, %c0_i32_0 : i32, i32
  }
  func.func @transform_9(%arg0: i32, %arg1: i32) -> (i32, i32) {
    %c0_i32 = arith.constant 0 : i32
    %c0_i32_0 = arith.constant 0 : i32
    %c0_i32_1 = arith.constant 0 : i32
    return %c0_i32, %c0_i32_0 : i32, i32
  }
  func.func @transform_10(%arg0: i32, %arg1: i32) -> (i32, i32) {
    %c0_i32 = arith.constant 0 : i32
    %c0_i32_0 = arith.constant 0 : i32
    %c0_i32_1 = arith.constant 0 : i32
    return %c0_i32, %c0_i32_0 : i32, i32
  }
  func.func @transform_11(%arg0: i32, %arg1: i32) -> (i32, i32) {
    %c0_i32 = arith.constant 0 : i32
    %c0_i32_0 = arith.constant 0 : i32
    %c0_i32_1 = arith.constant 0 : i32
    return %c0_i32, %c0_i32_0 : i32, i32
  }
  func.func @transform_12(%arg0: i32, %arg1: i32) -> (i32, i32, i32) {
    %c0_i32 = arith.constant 0 : i32
    %c0_i32_0 = arith.constant 0 : i32
    return %arg0, %arg1, %c0_i32 : i32, i32, i32
  }
  func.func @transform_13(%arg0: i32, %arg1: i32) -> (i32, i32, i32) {
    %c0_i32 = arith.constant 0 : i32
    %c0_i32_0 = arith.constant 0 : i32
    return %arg0, %arg1, %c0_i32 : i32, i32, i32
  }
  func.func @transform_14(%arg0: i32, %arg1: i32) -> (i32, i32, i32) {
    %c0_i32 = arith.constant 0 : i32
    %c0_i32_0 = arith.constant 0 : i32
    return %arg0, %arg1, %c0_i32 : i32, i32, i32
  }
  func.func @transform_15(%arg0: i32, %arg1: i32) -> (i32, i32, i32) {
    %c0_i32 = arith.constant 0 : i32
    %c0_i32_0 = arith.constant 0 : i32
    return %arg0, %arg1, %c0_i32 : i32, i32, i32
  }
  func.func @transform_16(%arg0: i32, %arg1: i32) -> (i32, i32, i32) {
    %c0_i32 = arith.constant 0 : i32
    %c0_i32_0 = arith.constant 0 : i32
    return %arg0, %arg1, %c0_i32 : i32, i32, i32
  }
  func.func @transform_17(%arg0: i32, %arg1: i32) -> (i32, i32, i32) {
    %c0_i32 = arith.constant 0 : i32
    %c0_i32_0 = arith.constant 0 : i32
    return %arg0, %arg1, %c0_i32 : i32, i32, i32
  }
}

module attributes {stable_mosaic.version = 14 : i64} {
  func.func @_dist_body(%arg0: i32, %arg1: i32, %arg2: memref<1x256x64xf32, #tpu.memory_space<vmem>>, %arg3: memref<1x64x4096xf32, #tpu.memory_space<vmem>>, %arg4: memref<1x256x3xf32, #tpu.memory_space<vmem>>, %arg5: memref<1x3x4096xf32, #tpu.memory_space<vmem>>, %arg6: memref<1x256x16xi32, #tpu.memory_space<vmem>>) attributes {dimension_semantics = [#tpu.dimension_semantics<arbitrary>, #tpu.dimension_semantics<arbitrary>], iteration_bounds = array<i64: 2, 16>, scalar_prefetch = 0 : i64, scratch_operands = 0 : i64, tpu.core_type = #tpu.core_type<tc>, window_params = [{transform_indices = @transform_0, window_bounds = array<i64: 1, 256, 64>}, {transform_indices = @transform_1, window_bounds = array<i64: 1, 64, 4096>}, {transform_indices = @transform_2, window_bounds = array<i64: 1, 256, 3>}, {transform_indices = @transform_3, window_bounds = array<i64: 1, 3, 4096>}, {transform_indices = @transform_4, window_bounds = array<i64: 1, 256, 16>}]} {
    %add3A = arith.constant 0 : i32
    %add3A_0 = arith.addi %add3A, %arg0 : i32
    %mul3A = arith.constant 4096 : i32
    %mul3A_1 = arith.muli %add3A_0, %mul3A : i32
    %get3A = arith.constant 0 : index
    %get3A_2 = arith.constant 0 : index
    %get3A_3 = arith.constant 0 : index
    %get3A_4 = vector.load %arg2[%get3A, %get3A_2, %get3A_3] : memref<1x256x64xf32, #tpu.memory_space<vmem>>, vector<1x256x64xf32>
    %get3A_5 = vector.shape_cast %get3A_4 : vector<1x256x64xf32> to vector<256x64xf32>
    %get3A_6 = arith.constant 0 : index
    %get3A_7 = arith.constant 0 : index
    %get3A_8 = arith.constant 0 : index
    %get3A_9 = vector.load %arg3[%get3A_6, %get3A_7, %get3A_8] : memref<1x64x4096xf32, #tpu.memory_space<vmem>>, vector<1x64x4096xf32>
    %get3A_10 = vector.shape_cast %get3A_9 : vector<1x64x4096xf32> to vector<64x4096xf32>
    %dot_general3A = arith.constant dense<0.000000e+00> : vector<256x4096xf32>
    %dot_general3A_11 = tpu.matmul %get3A_5, %get3A_10, %dot_general3A {dimension_numbers = #tpu.dot_dimension_numbers<[1], [0], [0], [1], [0, 0, 1, 1], [], []>, transpose_lhs_hint = false} : vector<256x64xf32>, vector<64x4096xf32>, vector<256x4096xf32> -> vector<256x4096xf32>
    %sub3A = arith.constant 1.000000e+00 : f32
    %sub3A_12 = vector.broadcast %sub3A : f32 to vector<256x4096xf32>
    %sub3A_13 = arith.subf %sub3A_12, %dot_general3A_11 : vector<256x4096xf32>
    %get3A_14 = arith.constant 0 : index
    %get3A_15 = arith.constant 0 : index
    %get3A_16 = arith.constant 0 : index
    %get3A_17 = vector.load %arg4[%get3A_14, %get3A_15, %get3A_16] : memref<1x256x3xf32, #tpu.memory_space<vmem>>, vector<1x256x3xf32>
    %get3A_18 = vector.shape_cast %get3A_17 : vector<1x256x3xf32> to vector<256x3xf32>
    %get3A_19 = arith.constant 0 : index
    %get3A_20 = arith.constant 0 : index
    %get3A_21 = arith.constant 0 : index
    %get3A_22 = vector.load %arg5[%get3A_19, %get3A_20, %get3A_21] : memref<1x3x4096xf32, #tpu.memory_space<vmem>>, vector<1x3x4096xf32>
    %get3A_23 = vector.shape_cast %get3A_22 : vector<1x3x4096xf32> to vector<3x4096xf32>
    %dot_general3A_24 = arith.constant dense<0.000000e+00> : vector<256x4096xf32>
    %dot_general3A_25 = tpu.matmul %get3A_18, %get3A_23, %dot_general3A_24 {dimension_numbers = #tpu.dot_dimension_numbers<[1], [0], [0], [1], [0, 0, 1, 1], [], []>, transpose_lhs_hint = false} : vector<256x3xf32>, vector<3x4096xf32>, vector<256x4096xf32> -> vector<256x4096xf32>
    %mul3A_26 = arith.constant -2.000000e+00 : f32
    %mul3A_27 = vector.broadcast %mul3A_26 : f32 to vector<256x4096xf32>
    %mul3A_28 = arith.mulf %mul3A_27, %dot_general3A_25 : vector<256x4096xf32>
    %mul3A_29 = arith.mulf %get3A_18, %get3A_18 : vector<256x3xf32>
    %reduce_sum3A = arith.constant dense<0.000000e+00> : vector<256xf32>
    %reduce_sum3A_30 = vector.multi_reduction <add>, %mul3A_29, %reduce_sum3A [1] : vector<256x3xf32> to vector<256xf32>
    %broadcast_in_dim3A = vector.shape_cast %reduce_sum3A_30 : vector<256xf32> to vector<256x1xf32>
    %add3A_31 = vector.broadcast %broadcast_in_dim3A : vector<256x1xf32> to vector<256x4096xf32>
    %add3A_32 = arith.addf %mul3A_28, %add3A_31 : vector<256x4096xf32>
    %mul3A_33 = arith.mulf %get3A_23, %get3A_23 : vector<3x4096xf32>
    %reduce_sum3A_34 = arith.constant dense<0.000000e+00> : vector<4096xf32>
    %reduce_sum3A_35 = vector.multi_reduction <add>, %mul3A_33, %reduce_sum3A_34 [0] : vector<3x4096xf32> to vector<4096xf32>
    %broadcast_in_dim3A_36 = vector.shape_cast %reduce_sum3A_35 : vector<4096xf32> to vector<1x4096xf32>
    %add3A_37 = vector.broadcast %broadcast_in_dim3A_36 : vector<1x4096xf32> to vector<256x4096xf32>
    %add3A_38 = arith.addf %add3A_32, %add3A_37 : vector<256x4096xf32>
    %iota3A = tpu.iota {dimensions = array<i32: 1>} : vector<256x4096xi32>
    %reduce_min3A = arith.constant dense<0x7F800000> : vector<256xf32>
    %reduce_min3A_39 = vector.multi_reduction <minimumf>, %sub3A_13, %reduce_min3A [1] : vector<256x4096xf32> to vector<256xf32>
    %broadcast_in_dim3A_40 = vector.shape_cast %reduce_min3A_39 : vector<256xf32> to vector<256x1xf32>
    %eq3A = vector.broadcast %broadcast_in_dim3A_40 : vector<256x1xf32> to vector<256x4096xf32>
    %eq3A_41 = arith.cmpf oeq, %sub3A_13, %eq3A : vector<256x4096xf32>
    %jit3A = arith.constant 4096 : i32
    %broadcast_in_dim3A_42 = vector.broadcast %jit3A : i32 to vector<256x4096xi32>
    %select_n3A = arith.select %eq3A_41, %iota3A, %broadcast_in_dim3A_42 : vector<256x4096xi1>, vector<256x4096xi32>
    %reduce_min3A_43 = arith.constant dense<2147483647> : vector<256xi32>
    %reduce_min3A_44 = vector.multi_reduction <minsi>, %select_n3A, %reduce_min3A_43 [1] : vector<256x4096xi32> to vector<256xi32>
    %add3A_45 = vector.broadcast %mul3A_1 : i32 to vector<256xi32>
    %add3A_46 = arith.addi %reduce_min3A_44, %add3A_45 : vector<256xi32>
    %broadcast_in_dim3A_47 = vector.shape_cast %reduce_min3A_44 : vector<256xi32> to vector<256x1xi32>
    %eq3A_48 = vector.broadcast %broadcast_in_dim3A_47 : vector<256x1xi32> to vector<256x4096xi32>
    %eq3A_49 = arith.cmpi eq, %iota3A, %eq3A_48 : vector<256x4096xi32>
    %jit3A_50 = arith.constant 0x7F800000 : f32
    %broadcast_in_dim3A_51 = vector.broadcast %jit3A_50 : f32 to vector<256x4096xf32>
    %select_n3A_52 = arith.select %eq3A_49, %broadcast_in_dim3A_51, %sub3A_13 : vector<256x4096xi1>, vector<256x4096xf32>
    %reduce_min3A_53 = arith.constant dense<0x7F800000> : vector<256xf32>
    %reduce_min3A_54 = vector.multi_reduction <minimumf>, %select_n3A_52, %reduce_min3A_53 [1] : vector<256x4096xf32> to vector<256xf32>
    %broadcast_in_dim3A_55 = vector.shape_cast %reduce_min3A_54 : vector<256xf32> to vector<256x1xf32>
    %eq3A_56 = vector.broadcast %broadcast_in_dim3A_55 : vector<256x1xf32> to vector<256x4096xf32>
    %eq3A_57 = arith.cmpf oeq, %select_n3A_52, %eq3A_56 : vector<256x4096xf32>
    %jit3A_58 = arith.constant 4096 : i32
    %broadcast_in_dim3A_59 = vector.broadcast %jit3A_58 : i32 to vector<256x4096xi32>
    %select_n3A_60 = arith.select %eq3A_57, %iota3A, %broadcast_in_dim3A_59 : vector<256x4096xi1>, vector<256x4096xi32>
    %reduce_min3A_61 = arith.constant dense<2147483647> : vector<256xi32>
    %reduce_min3A_62 = vector.multi_reduction <minsi>, %select_n3A_60, %reduce_min3A_61 [1] : vector<256x4096xi32> to vector<256xi32>
    %add3A_63 = vector.broadcast %mul3A_1 : i32 to vector<256xi32>
    %add3A_64 = arith.addi %reduce_min3A_62, %add3A_63 : vector<256xi32>
    %broadcast_in_dim3A_65 = vector.shape_cast %reduce_min3A_62 : vector<256xi32> to vector<256x1xi32>
    %eq3A_66 = vector.broadcast %broadcast_in_dim3A_65 : vector<256x1xi32> to vector<256x4096xi32>
    %eq3A_67 = arith.cmpi eq, %iota3A, %eq3A_66 : vector<256x4096xi32>
    %jit3A_68 = arith.constant 0x7F800000 : f32
    %broadcast_in_dim3A_69 = vector.broadcast %jit3A_68 : f32 to vector<256x4096xf32>
    %select_n3A_70 = arith.select %eq3A_67, %broadcast_in_dim3A_69, %select_n3A_52 : vector<256x4096xi1>, vector<256x4096xf32>
    %reduce_min3A_71 = arith.constant dense<0x7F800000> : vector<256xf32>
    %reduce_min3A_72 = vector.multi_reduction <minimumf>, %select_n3A_70, %reduce_min3A_71 [1] : vector<256x4096xf32> to vector<256xf32>
    %broadcast_in_dim3A_73 = vector.shape_cast %reduce_min3A_72 : vector<256xf32> to vector<256x1xf32>
    %eq3A_74 = vector.broadcast %broadcast_in_dim3A_73 : vector<256x1xf32> to vector<256x4096xf32>
    %eq3A_75 = arith.cmpf oeq, %select_n3A_70, %eq3A_74 : vector<256x4096xf32>
    %jit3A_76 = arith.constant 4096 : i32
    %broadcast_in_dim3A_77 = vector.broadcast %jit3A_76 : i32 to vector<256x4096xi32>
    %select_n3A_78 = arith.select %eq3A_75, %iota3A, %broadcast_in_dim3A_77 : vector<256x4096xi1>, vector<256x4096xi32>
    %reduce_min3A_79 = arith.constant dense<2147483647> : vector<256xi32>
    %reduce_min3A_80 = vector.multi_reduction <minsi>, %select_n3A_78, %reduce_min3A_79 [1] : vector<256x4096xi32> to vector<256xi32>
    %add3A_81 = vector.broadcast %mul3A_1 : i32 to vector<256xi32>
    %add3A_82 = arith.addi %reduce_min3A_80, %add3A_81 : vector<256xi32>
    %broadcast_in_dim3A_83 = vector.shape_cast %reduce_min3A_80 : vector<256xi32> to vector<256x1xi32>
    %eq3A_84 = vector.broadcast %broadcast_in_dim3A_83 : vector<256x1xi32> to vector<256x4096xi32>
    %eq3A_85 = arith.cmpi eq, %iota3A, %eq3A_84 : vector<256x4096xi32>
    %jit3A_86 = arith.constant 0x7F800000 : f32
    %broadcast_in_dim3A_87 = vector.broadcast %jit3A_86 : f32 to vector<256x4096xf32>
    %select_n3A_88 = arith.select %eq3A_85, %broadcast_in_dim3A_87, %select_n3A_70 : vector<256x4096xi1>, vector<256x4096xf32>
    %reduce_min3A_89 = arith.constant dense<0x7F800000> : vector<256xf32>
    %reduce_min3A_90 = vector.multi_reduction <minimumf>, %select_n3A_88, %reduce_min3A_89 [1] : vector<256x4096xf32> to vector<256xf32>
    %broadcast_in_dim3A_91 = vector.shape_cast %reduce_min3A_90 : vector<256xf32> to vector<256x1xf32>
    %eq3A_92 = vector.broadcast %broadcast_in_dim3A_91 : vector<256x1xf32> to vector<256x4096xf32>
    %eq3A_93 = arith.cmpf oeq, %select_n3A_88, %eq3A_92 : vector<256x4096xf32>
    %jit3A_94 = arith.constant 4096 : i32
    %broadcast_in_dim3A_95 = vector.broadcast %jit3A_94 : i32 to vector<256x4096xi32>
    %select_n3A_96 = arith.select %eq3A_93, %iota3A, %broadcast_in_dim3A_95 : vector<256x4096xi1>, vector<256x4096xi32>
    %reduce_min3A_97 = arith.constant dense<2147483647> : vector<256xi32>
    %reduce_min3A_98 = vector.multi_reduction <minsi>, %select_n3A_96, %reduce_min3A_97 [1] : vector<256x4096xi32> to vector<256xi32>
    %add3A_99 = vector.broadcast %mul3A_1 : i32 to vector<256xi32>
    %add3A_100 = arith.addi %reduce_min3A_98, %add3A_99 : vector<256xi32>
    %broadcast_in_dim3A_101 = vector.shape_cast %reduce_min3A_98 : vector<256xi32> to vector<256x1xi32>
    %eq3A_102 = vector.broadcast %broadcast_in_dim3A_101 : vector<256x1xi32> to vector<256x4096xi32>
    %eq3A_103 = arith.cmpi eq, %iota3A, %eq3A_102 : vector<256x4096xi32>
    %jit3A_104 = arith.constant 0x7F800000 : f32
    %broadcast_in_dim3A_105 = vector.broadcast %jit3A_104 : f32 to vector<256x4096xf32>
    %select_n3A_106 = arith.select %eq3A_103, %broadcast_in_dim3A_105, %select_n3A_88 : vector<256x4096xi1>, vector<256x4096xf32>
    %reduce_min3A_107 = arith.constant dense<0x7F800000> : vector<256xf32>
    %reduce_min3A_108 = vector.multi_reduction <minimumf>, %select_n3A_106, %reduce_min3A_107 [1] : vector<256x4096xf32> to vector<256xf32>
    %broadcast_in_dim3A_109 = vector.shape_cast %reduce_min3A_108 : vector<256xf32> to vector<256x1xf32>
    %eq3A_110 = vector.broadcast %broadcast_in_dim3A_109 : vector<256x1xf32> to vector<256x4096xf32>
    %eq3A_111 = arith.cmpf oeq, %select_n3A_106, %eq3A_110 : vector<256x4096xf32>
    %jit3A_112 = arith.constant 4096 : i32
    %broadcast_in_dim3A_113 = vector.broadcast %jit3A_112 : i32 to vector<256x4096xi32>
    %select_n3A_114 = arith.select %eq3A_111, %iota3A, %broadcast_in_dim3A_113 : vector<256x4096xi1>, vector<256x4096xi32>
    %reduce_min3A_115 = arith.constant dense<2147483647> : vector<256xi32>
    %reduce_min3A_116 = vector.multi_reduction <minsi>, %select_n3A_114, %reduce_min3A_115 [1] : vector<256x4096xi32> to vector<256xi32>
    %add3A_117 = vector.broadcast %mul3A_1 : i32 to vector<256xi32>
    %add3A_118 = arith.addi %reduce_min3A_116, %add3A_117 : vector<256xi32>
    %broadcast_in_dim3A_119 = vector.shape_cast %reduce_min3A_116 : vector<256xi32> to vector<256x1xi32>
    %eq3A_120 = vector.broadcast %broadcast_in_dim3A_119 : vector<256x1xi32> to vector<256x4096xi32>
    %eq3A_121 = arith.cmpi eq, %iota3A, %eq3A_120 : vector<256x4096xi32>
    %jit3A_122 = arith.constant 0x7F800000 : f32
    %broadcast_in_dim3A_123 = vector.broadcast %jit3A_122 : f32 to vector<256x4096xf32>
    %select_n3A_124 = arith.select %eq3A_121, %broadcast_in_dim3A_123, %select_n3A_106 : vector<256x4096xi1>, vector<256x4096xf32>
    %reduce_min3A_125 = arith.constant dense<0x7F800000> : vector<256xf32>
    %reduce_min3A_126 = vector.multi_reduction <minimumf>, %select_n3A_124, %reduce_min3A_125 [1] : vector<256x4096xf32> to vector<256xf32>
    %broadcast_in_dim3A_127 = vector.shape_cast %reduce_min3A_126 : vector<256xf32> to vector<256x1xf32>
    %eq3A_128 = vector.broadcast %broadcast_in_dim3A_127 : vector<256x1xf32> to vector<256x4096xf32>
    %eq3A_129 = arith.cmpf oeq, %select_n3A_124, %eq3A_128 : vector<256x4096xf32>
    %jit3A_130 = arith.constant 4096 : i32
    %broadcast_in_dim3A_131 = vector.broadcast %jit3A_130 : i32 to vector<256x4096xi32>
    %select_n3A_132 = arith.select %eq3A_129, %iota3A, %broadcast_in_dim3A_131 : vector<256x4096xi1>, vector<256x4096xi32>
    %reduce_min3A_133 = arith.constant dense<2147483647> : vector<256xi32>
    %reduce_min3A_134 = vector.multi_reduction <minsi>, %select_n3A_132, %reduce_min3A_133 [1] : vector<256x4096xi32> to vector<256xi32>
    %add3A_135 = vector.broadcast %mul3A_1 : i32 to vector<256xi32>
    %add3A_136 = arith.addi %reduce_min3A_134, %add3A_135 : vector<256xi32>
    %broadcast_in_dim3A_137 = vector.shape_cast %reduce_min3A_134 : vector<256xi32> to vector<256x1xi32>
    %eq3A_138 = vector.broadcast %broadcast_in_dim3A_137 : vector<256x1xi32> to vector<256x4096xi32>
    %eq3A_139 = arith.cmpi eq, %iota3A, %eq3A_138 : vector<256x4096xi32>
    %jit3A_140 = arith.constant 0x7F800000 : f32
    %broadcast_in_dim3A_141 = vector.broadcast %jit3A_140 : f32 to vector<256x4096xf32>
    %select_n3A_142 = arith.select %eq3A_139, %broadcast_in_dim3A_141, %select_n3A_124 : vector<256x4096xi1>, vector<256x4096xf32>
    %reduce_min3A_143 = arith.constant dense<0x7F800000> : vector<256xf32>
    %reduce_min3A_144 = vector.multi_reduction <minimumf>, %select_n3A_142, %reduce_min3A_143 [1] : vector<256x4096xf32> to vector<256xf32>
    %broadcast_in_dim3A_145 = vector.shape_cast %reduce_min3A_144 : vector<256xf32> to vector<256x1xf32>
    %eq3A_146 = vector.broadcast %broadcast_in_dim3A_145 : vector<256x1xf32> to vector<256x4096xf32>
    %eq3A_147 = arith.cmpf oeq, %select_n3A_142, %eq3A_146 : vector<256x4096xf32>
    %jit3A_148 = arith.constant 4096 : i32
    %broadcast_in_dim3A_149 = vector.broadcast %jit3A_148 : i32 to vector<256x4096xi32>
    %select_n3A_150 = arith.select %eq3A_147, %iota3A, %broadcast_in_dim3A_149 : vector<256x4096xi1>, vector<256x4096xi32>
    %reduce_min3A_151 = arith.constant dense<2147483647> : vector<256xi32>
    %reduce_min3A_152 = vector.multi_reduction <minsi>, %select_n3A_150, %reduce_min3A_151 [1] : vector<256x4096xi32> to vector<256xi32>
    %add3A_153 = vector.broadcast %mul3A_1 : i32 to vector<256xi32>
    %add3A_154 = arith.addi %reduce_min3A_152, %add3A_153 : vector<256xi32>
    %broadcast_in_dim3A_155 = vector.shape_cast %reduce_min3A_152 : vector<256xi32> to vector<256x1xi32>
    %eq3A_156 = vector.broadcast %broadcast_in_dim3A_155 : vector<256x1xi32> to vector<256x4096xi32>
    %eq3A_157 = arith.cmpi eq, %iota3A, %eq3A_156 : vector<256x4096xi32>
    %jit3A_158 = arith.constant 0x7F800000 : f32
    %broadcast_in_dim3A_159 = vector.broadcast %jit3A_158 : f32 to vector<256x4096xf32>
    %select_n3A_160 = arith.select %eq3A_157, %broadcast_in_dim3A_159, %select_n3A_142 : vector<256x4096xi1>, vector<256x4096xf32>
    %reduce_min3A_161 = arith.constant dense<0x7F800000> : vector<256xf32>
    %reduce_min3A_162 = vector.multi_reduction <minimumf>, %select_n3A_160, %reduce_min3A_161 [1] : vector<256x4096xf32> to vector<256xf32>
    %broadcast_in_dim3A_163 = vector.shape_cast %reduce_min3A_162 : vector<256xf32> to vector<256x1xf32>
    %eq3A_164 = vector.broadcast %broadcast_in_dim3A_163 : vector<256x1xf32> to vector<256x4096xf32>
    %eq3A_165 = arith.cmpf oeq, %select_n3A_160, %eq3A_164 : vector<256x4096xf32>
    %jit3A_166 = arith.constant 4096 : i32
    %broadcast_in_dim3A_167 = vector.broadcast %jit3A_166 : i32 to vector<256x4096xi32>
    %select_n3A_168 = arith.select %eq3A_165, %iota3A, %broadcast_in_dim3A_167 : vector<256x4096xi1>, vector<256x4096xi32>
    %reduce_min3A_169 = arith.constant dense<2147483647> : vector<256xi32>
    %reduce_min3A_170 = vector.multi_reduction <minsi>, %select_n3A_168, %reduce_min3A_169 [1] : vector<256x4096xi32> to vector<256xi32>
    %add3A_171 = vector.broadcast %mul3A_1 : i32 to vector<256xi32>
    %add3A_172 = arith.addi %reduce_min3A_170, %add3A_171 : vector<256xi32>
    %iota3A_173 = tpu.iota {dimensions = array<i32: 1>} : vector<256x4096xi32>
    %reduce_min3A_174 = arith.constant dense<0x7F800000> : vector<256xf32>
    %reduce_min3A_175 = vector.multi_reduction <minimumf>, %add3A_38, %reduce_min3A_174 [1] : vector<256x4096xf32> to vector<256xf32>
    %broadcast_in_dim3A_176 = vector.shape_cast %reduce_min3A_175 : vector<256xf32> to vector<256x1xf32>
    %eq3A_177 = vector.broadcast %broadcast_in_dim3A_176 : vector<256x1xf32> to vector<256x4096xf32>
    %eq3A_178 = arith.cmpf oeq, %add3A_38, %eq3A_177 : vector<256x4096xf32>
    %jit3A_179 = arith.constant 4096 : i32
    %broadcast_in_dim3A_180 = vector.broadcast %jit3A_179 : i32 to vector<256x4096xi32>
    %select_n3A_181 = arith.select %eq3A_178, %iota3A_173, %broadcast_in_dim3A_180 : vector<256x4096xi1>, vector<256x4096xi32>
    %reduce_min3A_182 = arith.constant dense<2147483647> : vector<256xi32>
    %reduce_min3A_183 = vector.multi_reduction <minsi>, %select_n3A_181, %reduce_min3A_182 [1] : vector<256x4096xi32> to vector<256xi32>
    %add3A_184 = vector.broadcast %mul3A_1 : i32 to vector<256xi32>
    %add3A_185 = arith.addi %reduce_min3A_183, %add3A_184 : vector<256xi32>
    %broadcast_in_dim3A_186 = vector.shape_cast %reduce_min3A_183 : vector<256xi32> to vector<256x1xi32>
    %eq3A_187 = vector.broadcast %broadcast_in_dim3A_186 : vector<256x1xi32> to vector<256x4096xi32>
    %eq3A_188 = arith.cmpi eq, %iota3A_173, %eq3A_187 : vector<256x4096xi32>
    %jit3A_189 = arith.constant 0x7F800000 : f32
    %broadcast_in_dim3A_190 = vector.broadcast %jit3A_189 : f32 to vector<256x4096xf32>
    %select_n3A_191 = arith.select %eq3A_188, %broadcast_in_dim3A_190, %add3A_38 : vector<256x4096xi1>, vector<256x4096xf32>
    %reduce_min3A_192 = arith.constant dense<0x7F800000> : vector<256xf32>
    %reduce_min3A_193 = vector.multi_reduction <minimumf>, %select_n3A_191, %reduce_min3A_192 [1] : vector<256x4096xf32> to vector<256xf32>
    %broadcast_in_dim3A_194 = vector.shape_cast %reduce_min3A_193 : vector<256xf32> to vector<256x1xf32>
    %eq3A_195 = vector.broadcast %broadcast_in_dim3A_194 : vector<256x1xf32> to vector<256x4096xf32>
    %eq3A_196 = arith.cmpf oeq, %select_n3A_191, %eq3A_195 : vector<256x4096xf32>
    %jit3A_197 = arith.constant 4096 : i32
    %broadcast_in_dim3A_198 = vector.broadcast %jit3A_197 : i32 to vector<256x4096xi32>
    %select_n3A_199 = arith.select %eq3A_196, %iota3A_173, %broadcast_in_dim3A_198 : vector<256x4096xi1>, vector<256x4096xi32>
    %reduce_min3A_200 = arith.constant dense<2147483647> : vector<256xi32>
    %reduce_min3A_201 = vector.multi_reduction <minsi>, %select_n3A_199, %reduce_min3A_200 [1] : vector<256x4096xi32> to vector<256xi32>
    %add3A_202 = vector.broadcast %mul3A_1 : i32 to vector<256xi32>
    %add3A_203 = arith.addi %reduce_min3A_201, %add3A_202 : vector<256xi32>
    %broadcast_in_dim3A_204 = vector.shape_cast %reduce_min3A_201 : vector<256xi32> to vector<256x1xi32>
    %eq3A_205 = vector.broadcast %broadcast_in_dim3A_204 : vector<256x1xi32> to vector<256x4096xi32>
    %eq3A_206 = arith.cmpi eq, %iota3A_173, %eq3A_205 : vector<256x4096xi32>
    %jit3A_207 = arith.constant 0x7F800000 : f32
    %broadcast_in_dim3A_208 = vector.broadcast %jit3A_207 : f32 to vector<256x4096xf32>
    %select_n3A_209 = arith.select %eq3A_206, %broadcast_in_dim3A_208, %select_n3A_191 : vector<256x4096xi1>, vector<256x4096xf32>
    %reduce_min3A_210 = arith.constant dense<0x7F800000> : vector<256xf32>
    %reduce_min3A_211 = vector.multi_reduction <minimumf>, %select_n3A_209, %reduce_min3A_210 [1] : vector<256x4096xf32> to vector<256xf32>
    %broadcast_in_dim3A_212 = vector.shape_cast %reduce_min3A_211 : vector<256xf32> to vector<256x1xf32>
    %eq3A_213 = vector.broadcast %broadcast_in_dim3A_212 : vector<256x1xf32> to vector<256x4096xf32>
    %eq3A_214 = arith.cmpf oeq, %select_n3A_209, %eq3A_213 : vector<256x4096xf32>
    %jit3A_215 = arith.constant 4096 : i32
    %broadcast_in_dim3A_216 = vector.broadcast %jit3A_215 : i32 to vector<256x4096xi32>
    %select_n3A_217 = arith.select %eq3A_214, %iota3A_173, %broadcast_in_dim3A_216 : vector<256x4096xi1>, vector<256x4096xi32>
    %reduce_min3A_218 = arith.constant dense<2147483647> : vector<256xi32>
    %reduce_min3A_219 = vector.multi_reduction <minsi>, %select_n3A_217, %reduce_min3A_218 [1] : vector<256x4096xi32> to vector<256xi32>
    %add3A_220 = vector.broadcast %mul3A_1 : i32 to vector<256xi32>
    %add3A_221 = arith.addi %reduce_min3A_219, %add3A_220 : vector<256xi32>
    %broadcast_in_dim3A_222 = vector.shape_cast %reduce_min3A_219 : vector<256xi32> to vector<256x1xi32>
    %eq3A_223 = vector.broadcast %broadcast_in_dim3A_222 : vector<256x1xi32> to vector<256x4096xi32>
    %eq3A_224 = arith.cmpi eq, %iota3A_173, %eq3A_223 : vector<256x4096xi32>
    %jit3A_225 = arith.constant 0x7F800000 : f32
    %broadcast_in_dim3A_226 = vector.broadcast %jit3A_225 : f32 to vector<256x4096xf32>
    %select_n3A_227 = arith.select %eq3A_224, %broadcast_in_dim3A_226, %select_n3A_209 : vector<256x4096xi1>, vector<256x4096xf32>
    %reduce_min3A_228 = arith.constant dense<0x7F800000> : vector<256xf32>
    %reduce_min3A_229 = vector.multi_reduction <minimumf>, %select_n3A_227, %reduce_min3A_228 [1] : vector<256x4096xf32> to vector<256xf32>
    %broadcast_in_dim3A_230 = vector.shape_cast %reduce_min3A_229 : vector<256xf32> to vector<256x1xf32>
    %eq3A_231 = vector.broadcast %broadcast_in_dim3A_230 : vector<256x1xf32> to vector<256x4096xf32>
    %eq3A_232 = arith.cmpf oeq, %select_n3A_227, %eq3A_231 : vector<256x4096xf32>
    %jit3A_233 = arith.constant 4096 : i32
    %broadcast_in_dim3A_234 = vector.broadcast %jit3A_233 : i32 to vector<256x4096xi32>
    %select_n3A_235 = arith.select %eq3A_232, %iota3A_173, %broadcast_in_dim3A_234 : vector<256x4096xi1>, vector<256x4096xi32>
    %reduce_min3A_236 = arith.constant dense<2147483647> : vector<256xi32>
    %reduce_min3A_237 = vector.multi_reduction <minsi>, %select_n3A_235, %reduce_min3A_236 [1] : vector<256x4096xi32> to vector<256xi32>
    %add3A_238 = vector.broadcast %mul3A_1 : i32 to vector<256xi32>
    %add3A_239 = arith.addi %reduce_min3A_237, %add3A_238 : vector<256xi32>
    %broadcast_in_dim3A_240 = vector.shape_cast %reduce_min3A_237 : vector<256xi32> to vector<256x1xi32>
    %eq3A_241 = vector.broadcast %broadcast_in_dim3A_240 : vector<256x1xi32> to vector<256x4096xi32>
    %eq3A_242 = arith.cmpi eq, %iota3A_173, %eq3A_241 : vector<256x4096xi32>
    %jit3A_243 = arith.constant 0x7F800000 : f32
    %broadcast_in_dim3A_244 = vector.broadcast %jit3A_243 : f32 to vector<256x4096xf32>
    %select_n3A_245 = arith.select %eq3A_242, %broadcast_in_dim3A_244, %select_n3A_227 : vector<256x4096xi1>, vector<256x4096xf32>
    %reduce_min3A_246 = arith.constant dense<0x7F800000> : vector<256xf32>
    %reduce_min3A_247 = vector.multi_reduction <minimumf>, %select_n3A_245, %reduce_min3A_246 [1] : vector<256x4096xf32> to vector<256xf32>
    %broadcast_in_dim3A_248 = vector.shape_cast %reduce_min3A_247 : vector<256xf32> to vector<256x1xf32>
    %eq3A_249 = vector.broadcast %broadcast_in_dim3A_248 : vector<256x1xf32> to vector<256x4096xf32>
    %eq3A_250 = arith.cmpf oeq, %select_n3A_245, %eq3A_249 : vector<256x4096xf32>
    %jit3A_251 = arith.constant 4096 : i32
    %broadcast_in_dim3A_252 = vector.broadcast %jit3A_251 : i32 to vector<256x4096xi32>
    %select_n3A_253 = arith.select %eq3A_250, %iota3A_173, %broadcast_in_dim3A_252 : vector<256x4096xi1>, vector<256x4096xi32>
    %reduce_min3A_254 = arith.constant dense<2147483647> : vector<256xi32>
    %reduce_min3A_255 = vector.multi_reduction <minsi>, %select_n3A_253, %reduce_min3A_254 [1] : vector<256x4096xi32> to vector<256xi32>
    %add3A_256 = vector.broadcast %mul3A_1 : i32 to vector<256xi32>
    %add3A_257 = arith.addi %reduce_min3A_255, %add3A_256 : vector<256xi32>
    %broadcast_in_dim3A_258 = vector.shape_cast %reduce_min3A_255 : vector<256xi32> to vector<256x1xi32>
    %eq3A_259 = vector.broadcast %broadcast_in_dim3A_258 : vector<256x1xi32> to vector<256x4096xi32>
    %eq3A_260 = arith.cmpi eq, %iota3A_173, %eq3A_259 : vector<256x4096xi32>
    %jit3A_261 = arith.constant 0x7F800000 : f32
    %broadcast_in_dim3A_262 = vector.broadcast %jit3A_261 : f32 to vector<256x4096xf32>
    %select_n3A_263 = arith.select %eq3A_260, %broadcast_in_dim3A_262, %select_n3A_245 : vector<256x4096xi1>, vector<256x4096xf32>
    %reduce_min3A_264 = arith.constant dense<0x7F800000> : vector<256xf32>
    %reduce_min3A_265 = vector.multi_reduction <minimumf>, %select_n3A_263, %reduce_min3A_264 [1] : vector<256x4096xf32> to vector<256xf32>
    %broadcast_in_dim3A_266 = vector.shape_cast %reduce_min3A_265 : vector<256xf32> to vector<256x1xf32>
    %eq3A_267 = vector.broadcast %broadcast_in_dim3A_266 : vector<256x1xf32> to vector<256x4096xf32>
    %eq3A_268 = arith.cmpf oeq, %select_n3A_263, %eq3A_267 : vector<256x4096xf32>
    %jit3A_269 = arith.constant 4096 : i32
    %broadcast_in_dim3A_270 = vector.broadcast %jit3A_269 : i32 to vector<256x4096xi32>
    %select_n3A_271 = arith.select %eq3A_268, %iota3A_173, %broadcast_in_dim3A_270 : vector<256x4096xi1>, vector<256x4096xi32>
    %reduce_min3A_272 = arith.constant dense<2147483647> : vector<256xi32>
    %reduce_min3A_273 = vector.multi_reduction <minsi>, %select_n3A_271, %reduce_min3A_272 [1] : vector<256x4096xi32> to vector<256xi32>
    %add3A_274 = vector.broadcast %mul3A_1 : i32 to vector<256xi32>
    %add3A_275 = arith.addi %reduce_min3A_273, %add3A_274 : vector<256xi32>
    %broadcast_in_dim3A_276 = vector.shape_cast %reduce_min3A_273 : vector<256xi32> to vector<256x1xi32>
    %eq3A_277 = vector.broadcast %broadcast_in_dim3A_276 : vector<256x1xi32> to vector<256x4096xi32>
    %eq3A_278 = arith.cmpi eq, %iota3A_173, %eq3A_277 : vector<256x4096xi32>
    %jit3A_279 = arith.constant 0x7F800000 : f32
    %broadcast_in_dim3A_280 = vector.broadcast %jit3A_279 : f32 to vector<256x4096xf32>
    %select_n3A_281 = arith.select %eq3A_278, %broadcast_in_dim3A_280, %select_n3A_263 : vector<256x4096xi1>, vector<256x4096xf32>
    %reduce_min3A_282 = arith.constant dense<0x7F800000> : vector<256xf32>
    %reduce_min3A_283 = vector.multi_reduction <minimumf>, %select_n3A_281, %reduce_min3A_282 [1] : vector<256x4096xf32> to vector<256xf32>
    %broadcast_in_dim3A_284 = vector.shape_cast %reduce_min3A_283 : vector<256xf32> to vector<256x1xf32>
    %eq3A_285 = vector.broadcast %broadcast_in_dim3A_284 : vector<256x1xf32> to vector<256x4096xf32>
    %eq3A_286 = arith.cmpf oeq, %select_n3A_281, %eq3A_285 : vector<256x4096xf32>
    %jit3A_287 = arith.constant 4096 : i32
    %broadcast_in_dim3A_288 = vector.broadcast %jit3A_287 : i32 to vector<256x4096xi32>
    %select_n3A_289 = arith.select %eq3A_286, %iota3A_173, %broadcast_in_dim3A_288 : vector<256x4096xi1>, vector<256x4096xi32>
    %reduce_min3A_290 = arith.constant dense<2147483647> : vector<256xi32>
    %reduce_min3A_291 = vector.multi_reduction <minsi>, %select_n3A_289, %reduce_min3A_290 [1] : vector<256x4096xi32> to vector<256xi32>
    %add3A_292 = vector.broadcast %mul3A_1 : i32 to vector<256xi32>
    %add3A_293 = arith.addi %reduce_min3A_291, %add3A_292 : vector<256xi32>
    %broadcast_in_dim3A_294 = vector.shape_cast %reduce_min3A_291 : vector<256xi32> to vector<256x1xi32>
    %eq3A_295 = vector.broadcast %broadcast_in_dim3A_294 : vector<256x1xi32> to vector<256x4096xi32>
    %eq3A_296 = arith.cmpi eq, %iota3A_173, %eq3A_295 : vector<256x4096xi32>
    %jit3A_297 = arith.constant 0x7F800000 : f32
    %broadcast_in_dim3A_298 = vector.broadcast %jit3A_297 : f32 to vector<256x4096xf32>
    %select_n3A_299 = arith.select %eq3A_296, %broadcast_in_dim3A_298, %select_n3A_281 : vector<256x4096xi1>, vector<256x4096xf32>
    %reduce_min3A_300 = arith.constant dense<0x7F800000> : vector<256xf32>
    %reduce_min3A_301 = vector.multi_reduction <minimumf>, %select_n3A_299, %reduce_min3A_300 [1] : vector<256x4096xf32> to vector<256xf32>
    %broadcast_in_dim3A_302 = vector.shape_cast %reduce_min3A_301 : vector<256xf32> to vector<256x1xf32>
    %eq3A_303 = vector.broadcast %broadcast_in_dim3A_302 : vector<256x1xf32> to vector<256x4096xf32>
    %eq3A_304 = arith.cmpf oeq, %select_n3A_299, %eq3A_303 : vector<256x4096xf32>
    %jit3A_305 = arith.constant 4096 : i32
    %broadcast_in_dim3A_306 = vector.broadcast %jit3A_305 : i32 to vector<256x4096xi32>
    %select_n3A_307 = arith.select %eq3A_304, %iota3A_173, %broadcast_in_dim3A_306 : vector<256x4096xi1>, vector<256x4096xi32>
    %reduce_min3A_308 = arith.constant dense<2147483647> : vector<256xi32>
    %reduce_min3A_309 = vector.multi_reduction <minsi>, %select_n3A_307, %reduce_min3A_308 [1] : vector<256x4096xi32> to vector<256xi32>
    %add3A_310 = vector.broadcast %mul3A_1 : i32 to vector<256xi32>
    %add3A_311 = arith.addi %reduce_min3A_309, %add3A_310 : vector<256xi32>
    %broadcast_in_dim3A_312 = vector.shape_cast %add3A_46 : vector<256xi32> to vector<256x1xi32>
    %broadcast_in_dim3A_313 = vector.shape_cast %add3A_64 : vector<256xi32> to vector<256x1xi32>
    %broadcast_in_dim3A_314 = vector.shape_cast %add3A_82 : vector<256xi32> to vector<256x1xi32>
    %broadcast_in_dim3A_315 = vector.shape_cast %add3A_100 : vector<256xi32> to vector<256x1xi32>
    %broadcast_in_dim3A_316 = vector.shape_cast %add3A_118 : vector<256xi32> to vector<256x1xi32>
    %broadcast_in_dim3A_317 = vector.shape_cast %add3A_136 : vector<256xi32> to vector<256x1xi32>
    %broadcast_in_dim3A_318 = vector.shape_cast %add3A_154 : vector<256xi32> to vector<256x1xi32>
    %broadcast_in_dim3A_319 = vector.shape_cast %add3A_172 : vector<256xi32> to vector<256x1xi32>
    %broadcast_in_dim3A_320 = vector.shape_cast %add3A_185 : vector<256xi32> to vector<256x1xi32>
    %broadcast_in_dim3A_321 = vector.shape_cast %add3A_203 : vector<256xi32> to vector<256x1xi32>
    %broadcast_in_dim3A_322 = vector.shape_cast %add3A_221 : vector<256xi32> to vector<256x1xi32>
    %broadcast_in_dim3A_323 = vector.shape_cast %add3A_239 : vector<256xi32> to vector<256x1xi32>
    %broadcast_in_dim3A_324 = vector.shape_cast %add3A_257 : vector<256xi32> to vector<256x1xi32>
    %broadcast_in_dim3A_325 = vector.shape_cast %add3A_275 : vector<256xi32> to vector<256x1xi32>
    %broadcast_in_dim3A_326 = vector.shape_cast %add3A_293 : vector<256xi32> to vector<256x1xi32>
    %broadcast_in_dim3A_327 = vector.shape_cast %add3A_311 : vector<256xi32> to vector<256x1xi32>
    %concatenate3A = tpu.concatenate %broadcast_in_dim3A_312, %broadcast_in_dim3A_313, %broadcast_in_dim3A_314, %broadcast_in_dim3A_315, %broadcast_in_dim3A_316, %broadcast_in_dim3A_317, %broadcast_in_dim3A_318, %broadcast_in_dim3A_319, %broadcast_in_dim3A_320, %broadcast_in_dim3A_321, %broadcast_in_dim3A_322, %broadcast_in_dim3A_323, %broadcast_in_dim3A_324, %broadcast_in_dim3A_325, %broadcast_in_dim3A_326, %broadcast_in_dim3A_327 in 1 : vector<256x1xi32>, vector<256x1xi32>, vector<256x1xi32>, vector<256x1xi32>, vector<256x1xi32>, vector<256x1xi32>, vector<256x1xi32>, vector<256x1xi32>, vector<256x1xi32>, vector<256x1xi32>, vector<256x1xi32>, vector<256x1xi32>, vector<256x1xi32>, vector<256x1xi32>, vector<256x1xi32>, vector<256x1xi32> -> vector<256x16xi32>
    %swap3A = arith.constant 0 : index
    %swap3A_328 = arith.constant 0 : index
    %swap3A_329 = arith.constant 0 : index
    %swap3A_330 = vector.load %arg6[%swap3A, %swap3A_328, %swap3A_329] : memref<1x256x16xi32, #tpu.memory_space<vmem>>, vector<1x256x16xi32>
    %swap3A_331 = vector.shape_cast %swap3A_330 : vector<1x256x16xi32> to vector<256x16xi32>
    %swap3A_332 = vector.shape_cast %concatenate3A : vector<256x16xi32> to vector<1x256x16xi32>
    tpu.vector_store %arg6[%swap3A, %swap3A_328, %swap3A_329], %swap3A_332 {strides = array<i32>} : memref<1x256x16xi32, #tpu.memory_space<vmem>>, vector<1x256x16xi32>,
    return
  }
  func.func @transform_0(%arg0: i32, %arg1: i32) -> (i32, i32, i32) {
    %c0_i32 = arith.constant 0 : i32
    %c0_i32_0 = arith.constant 0 : i32
    return %arg0, %arg1, %c0_i32 : i32, i32, i32
  }
  func.func @transform_1(%arg0: i32, %arg1: i32) -> (i32, i32, i32) {
    %c0_i32 = arith.constant 0 : i32
    %c0_i32_0 = arith.constant 0 : i32
    %c0_i32_1 = arith.constant 0 : i32
    return %arg0, %c0_i32, %c0_i32_0 : i32, i32, i32
  }
  func.func @transform_2(%arg0: i32, %arg1: i32) -> (i32, i32, i32) {
    %c0_i32 = arith.constant 0 : i32
    %c0_i32_0 = arith.constant 0 : i32
    return %arg0, %arg1, %c0_i32 : i32, i32, i32
  }
  func.func @transform_3(%arg0: i32, %arg1: i32) -> (i32, i32, i32) {
    %c0_i32 = arith.constant 0 : i32
    %c0_i32_0 = arith.constant 0 : i32
    %c0_i32_1 = arith.constant 0 : i32
    return %arg0, %c0_i32, %c0_i32_0 : i32, i32, i32
  }
  func.func @transform_4(%arg0: i32, %arg1: i32) -> (i32, i32, i32) {
    %c0_i32 = arith.constant 0 : i32
    %c0_i32_0 = arith.constant 0 : i32
    return %arg0, %arg1, %c0_i32 : i32, i32, i32
  }
}

module attributes {stable_mosaic.version = 14 : i64} {
  func.func @_dist_body(%arg0: i32, %arg1: i32, %arg2: memref<1x256x64xf32, #tpu.memory_space<vmem>>, %arg3: memref<1x64x4096xf32, #tpu.memory_space<vmem>>, %arg4: memref<1x256x3xf32, #tpu.memory_space<vmem>>, %arg5: memref<1x3x4096xf32, #tpu.memory_space<vmem>>, %arg6: memref<1x256x16xi32, #tpu.memory_space<vmem>>) attributes {dimension_semantics = [#tpu.dimension_semantics<arbitrary>, #tpu.dimension_semantics<arbitrary>], iteration_bounds = array<i64: 2, 16>, scalar_prefetch = 0 : i64, scratch_operands = 0 : i64, tpu.core_type = #tpu.core_type<tc>, window_params = [{transform_indices = @transform_0, window_bounds = array<i64: 1, 256, 64>}, {transform_indices = @transform_1, window_bounds = array<i64: 1, 64, 4096>}, {transform_indices = @transform_2, window_bounds = array<i64: 1, 256, 3>}, {transform_indices = @transform_3, window_bounds = array<i64: 1, 3, 4096>}, {transform_indices = @transform_4, window_bounds = array<i64: 1, 256, 16>}]} {
    %add3A = arith.constant 2 : i32
    %add3A_0 = arith.addi %add3A, %arg0 : i32
    %mul3A = arith.constant 4096 : i32
    %mul3A_1 = arith.muli %add3A_0, %mul3A : i32
    %get3A = arith.constant 0 : index
    %get3A_2 = arith.constant 0 : index
    %get3A_3 = arith.constant 0 : index
    %get3A_4 = vector.load %arg2[%get3A, %get3A_2, %get3A_3] : memref<1x256x64xf32, #tpu.memory_space<vmem>>, vector<1x256x64xf32>
    %get3A_5 = vector.shape_cast %get3A_4 : vector<1x256x64xf32> to vector<256x64xf32>
    %get3A_6 = arith.constant 0 : index
    %get3A_7 = arith.constant 0 : index
    %get3A_8 = arith.constant 0 : index
    %get3A_9 = vector.load %arg3[%get3A_6, %get3A_7, %get3A_8] : memref<1x64x4096xf32, #tpu.memory_space<vmem>>, vector<1x64x4096xf32>
    %get3A_10 = vector.shape_cast %get3A_9 : vector<1x64x4096xf32> to vector<64x4096xf32>
    %dot_general3A = arith.constant dense<0.000000e+00> : vector<256x4096xf32>
    %dot_general3A_11 = tpu.matmul %get3A_5, %get3A_10, %dot_general3A {dimension_numbers = #tpu.dot_dimension_numbers<[1], [0], [0], [1], [0, 0, 1, 1], [], []>, transpose_lhs_hint = false} : vector<256x64xf32>, vector<64x4096xf32>, vector<256x4096xf32> -> vector<256x4096xf32>
    %sub3A = arith.constant 1.000000e+00 : f32
    %sub3A_12 = vector.broadcast %sub3A : f32 to vector<256x4096xf32>
    %sub3A_13 = arith.subf %sub3A_12, %dot_general3A_11 : vector<256x4096xf32>
    %get3A_14 = arith.constant 0 : index
    %get3A_15 = arith.constant 0 : index
    %get3A_16 = arith.constant 0 : index
    %get3A_17 = vector.load %arg4[%get3A_14, %get3A_15, %get3A_16] : memref<1x256x3xf32, #tpu.memory_space<vmem>>, vector<1x256x3xf32>
    %get3A_18 = vector.shape_cast %get3A_17 : vector<1x256x3xf32> to vector<256x3xf32>
    %get3A_19 = arith.constant 0 : index
    %get3A_20 = arith.constant 0 : index
    %get3A_21 = arith.constant 0 : index
    %get3A_22 = vector.load %arg5[%get3A_19, %get3A_20, %get3A_21] : memref<1x3x4096xf32, #tpu.memory_space<vmem>>, vector<1x3x4096xf32>
    %get3A_23 = vector.shape_cast %get3A_22 : vector<1x3x4096xf32> to vector<3x4096xf32>
    %dot_general3A_24 = arith.constant dense<0.000000e+00> : vector<256x4096xf32>
    %dot_general3A_25 = tpu.matmul %get3A_18, %get3A_23, %dot_general3A_24 {dimension_numbers = #tpu.dot_dimension_numbers<[1], [0], [0], [1], [0, 0, 1, 1], [], []>, transpose_lhs_hint = false} : vector<256x3xf32>, vector<3x4096xf32>, vector<256x4096xf32> -> vector<256x4096xf32>
    %mul3A_26 = arith.constant -2.000000e+00 : f32
    %mul3A_27 = vector.broadcast %mul3A_26 : f32 to vector<256x4096xf32>
    %mul3A_28 = arith.mulf %mul3A_27, %dot_general3A_25 : vector<256x4096xf32>
    %mul3A_29 = arith.mulf %get3A_18, %get3A_18 : vector<256x3xf32>
    %reduce_sum3A = arith.constant dense<0.000000e+00> : vector<256xf32>
    %reduce_sum3A_30 = vector.multi_reduction <add>, %mul3A_29, %reduce_sum3A [1] : vector<256x3xf32> to vector<256xf32>
    %broadcast_in_dim3A = vector.shape_cast %reduce_sum3A_30 : vector<256xf32> to vector<256x1xf32>
    %add3A_31 = vector.broadcast %broadcast_in_dim3A : vector<256x1xf32> to vector<256x4096xf32>
    %add3A_32 = arith.addf %mul3A_28, %add3A_31 : vector<256x4096xf32>
    %mul3A_33 = arith.mulf %get3A_23, %get3A_23 : vector<3x4096xf32>
    %reduce_sum3A_34 = arith.constant dense<0.000000e+00> : vector<4096xf32>
    %reduce_sum3A_35 = vector.multi_reduction <add>, %mul3A_33, %reduce_sum3A_34 [0] : vector<3x4096xf32> to vector<4096xf32>
    %broadcast_in_dim3A_36 = vector.shape_cast %reduce_sum3A_35 : vector<4096xf32> to vector<1x4096xf32>
    %add3A_37 = vector.broadcast %broadcast_in_dim3A_36 : vector<1x4096xf32> to vector<256x4096xf32>
    %add3A_38 = arith.addf %add3A_32, %add3A_37 : vector<256x4096xf32>
    %iota3A = tpu.iota {dimensions = array<i32: 1>} : vector<256x4096xi32>
    %reduce_min3A = arith.constant dense<0x7F800000> : vector<256xf32>
    %reduce_min3A_39 = vector.multi_reduction <minimumf>, %sub3A_13, %reduce_min3A [1] : vector<256x4096xf32> to vector<256xf32>
    %broadcast_in_dim3A_40 = vector.shape_cast %reduce_min3A_39 : vector<256xf32> to vector<256x1xf32>
    %eq3A = vector.broadcast %broadcast_in_dim3A_40 : vector<256x1xf32> to vector<256x4096xf32>
    %eq3A_41 = arith.cmpf oeq, %sub3A_13, %eq3A : vector<256x4096xf32>
    %jit3A = arith.constant 4096 : i32
    %broadcast_in_dim3A_42 = vector.broadcast %jit3A : i32 to vector<256x4096xi32>
    %select_n3A = arith.select %eq3A_41, %iota3A, %broadcast_in_dim3A_42 : vector<256x4096xi1>, vector<256x4096xi32>
    %reduce_min3A_43 = arith.constant dense<2147483647> : vector<256xi32>
    %reduce_min3A_44 = vector.multi_reduction <minsi>, %select_n3A, %reduce_min3A_43 [1] : vector<256x4096xi32> to vector<256xi32>
    %add3A_45 = vector.broadcast %mul3A_1 : i32 to vector<256xi32>
    %add3A_46 = arith.addi %reduce_min3A_44, %add3A_45 : vector<256xi32>
    %broadcast_in_dim3A_47 = vector.shape_cast %reduce_min3A_44 : vector<256xi32> to vector<256x1xi32>
    %eq3A_48 = vector.broadcast %broadcast_in_dim3A_47 : vector<256x1xi32> to vector<256x4096xi32>
    %eq3A_49 = arith.cmpi eq, %iota3A, %eq3A_48 : vector<256x4096xi32>
    %jit3A_50 = arith.constant 0x7F800000 : f32
    %broadcast_in_dim3A_51 = vector.broadcast %jit3A_50 : f32 to vector<256x4096xf32>
    %select_n3A_52 = arith.select %eq3A_49, %broadcast_in_dim3A_51, %sub3A_13 : vector<256x4096xi1>, vector<256x4096xf32>
    %reduce_min3A_53 = arith.constant dense<0x7F800000> : vector<256xf32>
    %reduce_min3A_54 = vector.multi_reduction <minimumf>, %select_n3A_52, %reduce_min3A_53 [1] : vector<256x4096xf32> to vector<256xf32>
    %broadcast_in_dim3A_55 = vector.shape_cast %reduce_min3A_54 : vector<256xf32> to vector<256x1xf32>
    %eq3A_56 = vector.broadcast %broadcast_in_dim3A_55 : vector<256x1xf32> to vector<256x4096xf32>
    %eq3A_57 = arith.cmpf oeq, %select_n3A_52, %eq3A_56 : vector<256x4096xf32>
    %jit3A_58 = arith.constant 4096 : i32
    %broadcast_in_dim3A_59 = vector.broadcast %jit3A_58 : i32 to vector<256x4096xi32>
    %select_n3A_60 = arith.select %eq3A_57, %iota3A, %broadcast_in_dim3A_59 : vector<256x4096xi1>, vector<256x4096xi32>
    %reduce_min3A_61 = arith.constant dense<2147483647> : vector<256xi32>
    %reduce_min3A_62 = vector.multi_reduction <minsi>, %select_n3A_60, %reduce_min3A_61 [1] : vector<256x4096xi32> to vector<256xi32>
    %add3A_63 = vector.broadcast %mul3A_1 : i32 to vector<256xi32>
    %add3A_64 = arith.addi %reduce_min3A_62, %add3A_63 : vector<256xi32>
    %broadcast_in_dim3A_65 = vector.shape_cast %reduce_min3A_62 : vector<256xi32> to vector<256x1xi32>
    %eq3A_66 = vector.broadcast %broadcast_in_dim3A_65 : vector<256x1xi32> to vector<256x4096xi32>
    %eq3A_67 = arith.cmpi eq, %iota3A, %eq3A_66 : vector<256x4096xi32>
    %jit3A_68 = arith.constant 0x7F800000 : f32
    %broadcast_in_dim3A_69 = vector.broadcast %jit3A_68 : f32 to vector<256x4096xf32>
    %select_n3A_70 = arith.select %eq3A_67, %broadcast_in_dim3A_69, %select_n3A_52 : vector<256x4096xi1>, vector<256x4096xf32>
    %reduce_min3A_71 = arith.constant dense<0x7F800000> : vector<256xf32>
    %reduce_min3A_72 = vector.multi_reduction <minimumf>, %select_n3A_70, %reduce_min3A_71 [1] : vector<256x4096xf32> to vector<256xf32>
    %broadcast_in_dim3A_73 = vector.shape_cast %reduce_min3A_72 : vector<256xf32> to vector<256x1xf32>
    %eq3A_74 = vector.broadcast %broadcast_in_dim3A_73 : vector<256x1xf32> to vector<256x4096xf32>
    %eq3A_75 = arith.cmpf oeq, %select_n3A_70, %eq3A_74 : vector<256x4096xf32>
    %jit3A_76 = arith.constant 4096 : i32
    %broadcast_in_dim3A_77 = vector.broadcast %jit3A_76 : i32 to vector<256x4096xi32>
    %select_n3A_78 = arith.select %eq3A_75, %iota3A, %broadcast_in_dim3A_77 : vector<256x4096xi1>, vector<256x4096xi32>
    %reduce_min3A_79 = arith.constant dense<2147483647> : vector<256xi32>
    %reduce_min3A_80 = vector.multi_reduction <minsi>, %select_n3A_78, %reduce_min3A_79 [1] : vector<256x4096xi32> to vector<256xi32>
    %add3A_81 = vector.broadcast %mul3A_1 : i32 to vector<256xi32>
    %add3A_82 = arith.addi %reduce_min3A_80, %add3A_81 : vector<256xi32>
    %broadcast_in_dim3A_83 = vector.shape_cast %reduce_min3A_80 : vector<256xi32> to vector<256x1xi32>
    %eq3A_84 = vector.broadcast %broadcast_in_dim3A_83 : vector<256x1xi32> to vector<256x4096xi32>
    %eq3A_85 = arith.cmpi eq, %iota3A, %eq3A_84 : vector<256x4096xi32>
    %jit3A_86 = arith.constant 0x7F800000 : f32
    %broadcast_in_dim3A_87 = vector.broadcast %jit3A_86 : f32 to vector<256x4096xf32>
    %select_n3A_88 = arith.select %eq3A_85, %broadcast_in_dim3A_87, %select_n3A_70 : vector<256x4096xi1>, vector<256x4096xf32>
    %reduce_min3A_89 = arith.constant dense<0x7F800000> : vector<256xf32>
    %reduce_min3A_90 = vector.multi_reduction <minimumf>, %select_n3A_88, %reduce_min3A_89 [1] : vector<256x4096xf32> to vector<256xf32>
    %broadcast_in_dim3A_91 = vector.shape_cast %reduce_min3A_90 : vector<256xf32> to vector<256x1xf32>
    %eq3A_92 = vector.broadcast %broadcast_in_dim3A_91 : vector<256x1xf32> to vector<256x4096xf32>
    %eq3A_93 = arith.cmpf oeq, %select_n3A_88, %eq3A_92 : vector<256x4096xf32>
    %jit3A_94 = arith.constant 4096 : i32
    %broadcast_in_dim3A_95 = vector.broadcast %jit3A_94 : i32 to vector<256x4096xi32>
    %select_n3A_96 = arith.select %eq3A_93, %iota3A, %broadcast_in_dim3A_95 : vector<256x4096xi1>, vector<256x4096xi32>
    %reduce_min3A_97 = arith.constant dense<2147483647> : vector<256xi32>
    %reduce_min3A_98 = vector.multi_reduction <minsi>, %select_n3A_96, %reduce_min3A_97 [1] : vector<256x4096xi32> to vector<256xi32>
    %add3A_99 = vector.broadcast %mul3A_1 : i32 to vector<256xi32>
    %add3A_100 = arith.addi %reduce_min3A_98, %add3A_99 : vector<256xi32>
    %broadcast_in_dim3A_101 = vector.shape_cast %reduce_min3A_98 : vector<256xi32> to vector<256x1xi32>
    %eq3A_102 = vector.broadcast %broadcast_in_dim3A_101 : vector<256x1xi32> to vector<256x4096xi32>
    %eq3A_103 = arith.cmpi eq, %iota3A, %eq3A_102 : vector<256x4096xi32>
    %jit3A_104 = arith.constant 0x7F800000 : f32
    %broadcast_in_dim3A_105 = vector.broadcast %jit3A_104 : f32 to vector<256x4096xf32>
    %select_n3A_106 = arith.select %eq3A_103, %broadcast_in_dim3A_105, %select_n3A_88 : vector<256x4096xi1>, vector<256x4096xf32>
    %reduce_min3A_107 = arith.constant dense<0x7F800000> : vector<256xf32>
    %reduce_min3A_108 = vector.multi_reduction <minimumf>, %select_n3A_106, %reduce_min3A_107 [1] : vector<256x4096xf32> to vector<256xf32>
    %broadcast_in_dim3A_109 = vector.shape_cast %reduce_min3A_108 : vector<256xf32> to vector<256x1xf32>
    %eq3A_110 = vector.broadcast %broadcast_in_dim3A_109 : vector<256x1xf32> to vector<256x4096xf32>
    %eq3A_111 = arith.cmpf oeq, %select_n3A_106, %eq3A_110 : vector<256x4096xf32>
    %jit3A_112 = arith.constant 4096 : i32
    %broadcast_in_dim3A_113 = vector.broadcast %jit3A_112 : i32 to vector<256x4096xi32>
    %select_n3A_114 = arith.select %eq3A_111, %iota3A, %broadcast_in_dim3A_113 : vector<256x4096xi1>, vector<256x4096xi32>
    %reduce_min3A_115 = arith.constant dense<2147483647> : vector<256xi32>
    %reduce_min3A_116 = vector.multi_reduction <minsi>, %select_n3A_114, %reduce_min3A_115 [1] : vector<256x4096xi32> to vector<256xi32>
    %add3A_117 = vector.broadcast %mul3A_1 : i32 to vector<256xi32>
    %add3A_118 = arith.addi %reduce_min3A_116, %add3A_117 : vector<256xi32>
    %broadcast_in_dim3A_119 = vector.shape_cast %reduce_min3A_116 : vector<256xi32> to vector<256x1xi32>
    %eq3A_120 = vector.broadcast %broadcast_in_dim3A_119 : vector<256x1xi32> to vector<256x4096xi32>
    %eq3A_121 = arith.cmpi eq, %iota3A, %eq3A_120 : vector<256x4096xi32>
    %jit3A_122 = arith.constant 0x7F800000 : f32
    %broadcast_in_dim3A_123 = vector.broadcast %jit3A_122 : f32 to vector<256x4096xf32>
    %select_n3A_124 = arith.select %eq3A_121, %broadcast_in_dim3A_123, %select_n3A_106 : vector<256x4096xi1>, vector<256x4096xf32>
    %reduce_min3A_125 = arith.constant dense<0x7F800000> : vector<256xf32>
    %reduce_min3A_126 = vector.multi_reduction <minimumf>, %select_n3A_124, %reduce_min3A_125 [1] : vector<256x4096xf32> to vector<256xf32>
    %broadcast_in_dim3A_127 = vector.shape_cast %reduce_min3A_126 : vector<256xf32> to vector<256x1xf32>
    %eq3A_128 = vector.broadcast %broadcast_in_dim3A_127 : vector<256x1xf32> to vector<256x4096xf32>
    %eq3A_129 = arith.cmpf oeq, %select_n3A_124, %eq3A_128 : vector<256x4096xf32>
    %jit3A_130 = arith.constant 4096 : i32
    %broadcast_in_dim3A_131 = vector.broadcast %jit3A_130 : i32 to vector<256x4096xi32>
    %select_n3A_132 = arith.select %eq3A_129, %iota3A, %broadcast_in_dim3A_131 : vector<256x4096xi1>, vector<256x4096xi32>
    %reduce_min3A_133 = arith.constant dense<2147483647> : vector<256xi32>
    %reduce_min3A_134 = vector.multi_reduction <minsi>, %select_n3A_132, %reduce_min3A_133 [1] : vector<256x4096xi32> to vector<256xi32>
    %add3A_135 = vector.broadcast %mul3A_1 : i32 to vector<256xi32>
    %add3A_136 = arith.addi %reduce_min3A_134, %add3A_135 : vector<256xi32>
    %broadcast_in_dim3A_137 = vector.shape_cast %reduce_min3A_134 : vector<256xi32> to vector<256x1xi32>
    %eq3A_138 = vector.broadcast %broadcast_in_dim3A_137 : vector<256x1xi32> to vector<256x4096xi32>
    %eq3A_139 = arith.cmpi eq, %iota3A, %eq3A_138 : vector<256x4096xi32>
    %jit3A_140 = arith.constant 0x7F800000 : f32
    %broadcast_in_dim3A_141 = vector.broadcast %jit3A_140 : f32 to vector<256x4096xf32>
    %select_n3A_142 = arith.select %eq3A_139, %broadcast_in_dim3A_141, %select_n3A_124 : vector<256x4096xi1>, vector<256x4096xf32>
    %reduce_min3A_143 = arith.constant dense<0x7F800000> : vector<256xf32>
    %reduce_min3A_144 = vector.multi_reduction <minimumf>, %select_n3A_142, %reduce_min3A_143 [1] : vector<256x4096xf32> to vector<256xf32>
    %broadcast_in_dim3A_145 = vector.shape_cast %reduce_min3A_144 : vector<256xf32> to vector<256x1xf32>
    %eq3A_146 = vector.broadcast %broadcast_in_dim3A_145 : vector<256x1xf32> to vector<256x4096xf32>
    %eq3A_147 = arith.cmpf oeq, %select_n3A_142, %eq3A_146 : vector<256x4096xf32>
    %jit3A_148 = arith.constant 4096 : i32
    %broadcast_in_dim3A_149 = vector.broadcast %jit3A_148 : i32 to vector<256x4096xi32>
    %select_n3A_150 = arith.select %eq3A_147, %iota3A, %broadcast_in_dim3A_149 : vector<256x4096xi1>, vector<256x4096xi32>
    %reduce_min3A_151 = arith.constant dense<2147483647> : vector<256xi32>
    %reduce_min3A_152 = vector.multi_reduction <minsi>, %select_n3A_150, %reduce_min3A_151 [1] : vector<256x4096xi32> to vector<256xi32>
    %add3A_153 = vector.broadcast %mul3A_1 : i32 to vector<256xi32>
    %add3A_154 = arith.addi %reduce_min3A_152, %add3A_153 : vector<256xi32>
    %broadcast_in_dim3A_155 = vector.shape_cast %reduce_min3A_152 : vector<256xi32> to vector<256x1xi32>
    %eq3A_156 = vector.broadcast %broadcast_in_dim3A_155 : vector<256x1xi32> to vector<256x4096xi32>
    %eq3A_157 = arith.cmpi eq, %iota3A, %eq3A_156 : vector<256x4096xi32>
    %jit3A_158 = arith.constant 0x7F800000 : f32
    %broadcast_in_dim3A_159 = vector.broadcast %jit3A_158 : f32 to vector<256x4096xf32>
    %select_n3A_160 = arith.select %eq3A_157, %broadcast_in_dim3A_159, %select_n3A_142 : vector<256x4096xi1>, vector<256x4096xf32>
    %reduce_min3A_161 = arith.constant dense<0x7F800000> : vector<256xf32>
    %reduce_min3A_162 = vector.multi_reduction <minimumf>, %select_n3A_160, %reduce_min3A_161 [1] : vector<256x4096xf32> to vector<256xf32>
    %broadcast_in_dim3A_163 = vector.shape_cast %reduce_min3A_162 : vector<256xf32> to vector<256x1xf32>
    %eq3A_164 = vector.broadcast %broadcast_in_dim3A_163 : vector<256x1xf32> to vector<256x4096xf32>
    %eq3A_165 = arith.cmpf oeq, %select_n3A_160, %eq3A_164 : vector<256x4096xf32>
    %jit3A_166 = arith.constant 4096 : i32
    %broadcast_in_dim3A_167 = vector.broadcast %jit3A_166 : i32 to vector<256x4096xi32>
    %select_n3A_168 = arith.select %eq3A_165, %iota3A, %broadcast_in_dim3A_167 : vector<256x4096xi1>, vector<256x4096xi32>
    %reduce_min3A_169 = arith.constant dense<2147483647> : vector<256xi32>
    %reduce_min3A_170 = vector.multi_reduction <minsi>, %select_n3A_168, %reduce_min3A_169 [1] : vector<256x4096xi32> to vector<256xi32>
    %add3A_171 = vector.broadcast %mul3A_1 : i32 to vector<256xi32>
    %add3A_172 = arith.addi %reduce_min3A_170, %add3A_171 : vector<256xi32>
    %iota3A_173 = tpu.iota {dimensions = array<i32: 1>} : vector<256x4096xi32>
    %reduce_min3A_174 = arith.constant dense<0x7F800000> : vector<256xf32>
    %reduce_min3A_175 = vector.multi_reduction <minimumf>, %add3A_38, %reduce_min3A_174 [1] : vector<256x4096xf32> to vector<256xf32>
    %broadcast_in_dim3A_176 = vector.shape_cast %reduce_min3A_175 : vector<256xf32> to vector<256x1xf32>
    %eq3A_177 = vector.broadcast %broadcast_in_dim3A_176 : vector<256x1xf32> to vector<256x4096xf32>
    %eq3A_178 = arith.cmpf oeq, %add3A_38, %eq3A_177 : vector<256x4096xf32>
    %jit3A_179 = arith.constant 4096 : i32
    %broadcast_in_dim3A_180 = vector.broadcast %jit3A_179 : i32 to vector<256x4096xi32>
    %select_n3A_181 = arith.select %eq3A_178, %iota3A_173, %broadcast_in_dim3A_180 : vector<256x4096xi1>, vector<256x4096xi32>
    %reduce_min3A_182 = arith.constant dense<2147483647> : vector<256xi32>
    %reduce_min3A_183 = vector.multi_reduction <minsi>, %select_n3A_181, %reduce_min3A_182 [1] : vector<256x4096xi32> to vector<256xi32>
    %add3A_184 = vector.broadcast %mul3A_1 : i32 to vector<256xi32>
    %add3A_185 = arith.addi %reduce_min3A_183, %add3A_184 : vector<256xi32>
    %broadcast_in_dim3A_186 = vector.shape_cast %reduce_min3A_183 : vector<256xi32> to vector<256x1xi32>
    %eq3A_187 = vector.broadcast %broadcast_in_dim3A_186 : vector<256x1xi32> to vector<256x4096xi32>
    %eq3A_188 = arith.cmpi eq, %iota3A_173, %eq3A_187 : vector<256x4096xi32>
    %jit3A_189 = arith.constant 0x7F800000 : f32
    %broadcast_in_dim3A_190 = vector.broadcast %jit3A_189 : f32 to vector<256x4096xf32>
    %select_n3A_191 = arith.select %eq3A_188, %broadcast_in_dim3A_190, %add3A_38 : vector<256x4096xi1>, vector<256x4096xf32>
    %reduce_min3A_192 = arith.constant dense<0x7F800000> : vector<256xf32>
    %reduce_min3A_193 = vector.multi_reduction <minimumf>, %select_n3A_191, %reduce_min3A_192 [1] : vector<256x4096xf32> to vector<256xf32>
    %broadcast_in_dim3A_194 = vector.shape_cast %reduce_min3A_193 : vector<256xf32> to vector<256x1xf32>
    %eq3A_195 = vector.broadcast %broadcast_in_dim3A_194 : vector<256x1xf32> to vector<256x4096xf32>
    %eq3A_196 = arith.cmpf oeq, %select_n3A_191, %eq3A_195 : vector<256x4096xf32>
    %jit3A_197 = arith.constant 4096 : i32
    %broadcast_in_dim3A_198 = vector.broadcast %jit3A_197 : i32 to vector<256x4096xi32>
    %select_n3A_199 = arith.select %eq3A_196, %iota3A_173, %broadcast_in_dim3A_198 : vector<256x4096xi1>, vector<256x4096xi32>
    %reduce_min3A_200 = arith.constant dense<2147483647> : vector<256xi32>
    %reduce_min3A_201 = vector.multi_reduction <minsi>, %select_n3A_199, %reduce_min3A_200 [1] : vector<256x4096xi32> to vector<256xi32>
    %add3A_202 = vector.broadcast %mul3A_1 : i32 to vector<256xi32>
    %add3A_203 = arith.addi %reduce_min3A_201, %add3A_202 : vector<256xi32>
    %broadcast_in_dim3A_204 = vector.shape_cast %reduce_min3A_201 : vector<256xi32> to vector<256x1xi32>
    %eq3A_205 = vector.broadcast %broadcast_in_dim3A_204 : vector<256x1xi32> to vector<256x4096xi32>
    %eq3A_206 = arith.cmpi eq, %iota3A_173, %eq3A_205 : vector<256x4096xi32>
    %jit3A_207 = arith.constant 0x7F800000 : f32
    %broadcast_in_dim3A_208 = vector.broadcast %jit3A_207 : f32 to vector<256x4096xf32>
    %select_n3A_209 = arith.select %eq3A_206, %broadcast_in_dim3A_208, %select_n3A_191 : vector<256x4096xi1>, vector<256x4096xf32>
    %reduce_min3A_210 = arith.constant dense<0x7F800000> : vector<256xf32>
    %reduce_min3A_211 = vector.multi_reduction <minimumf>, %select_n3A_209, %reduce_min3A_210 [1] : vector<256x4096xf32> to vector<256xf32>
    %broadcast_in_dim3A_212 = vector.shape_cast %reduce_min3A_211 : vector<256xf32> to vector<256x1xf32>
    %eq3A_213 = vector.broadcast %broadcast_in_dim3A_212 : vector<256x1xf32> to vector<256x4096xf32>
    %eq3A_214 = arith.cmpf oeq, %select_n3A_209, %eq3A_213 : vector<256x4096xf32>
    %jit3A_215 = arith.constant 4096 : i32
    %broadcast_in_dim3A_216 = vector.broadcast %jit3A_215 : i32 to vector<256x4096xi32>
    %select_n3A_217 = arith.select %eq3A_214, %iota3A_173, %broadcast_in_dim3A_216 : vector<256x4096xi1>, vector<256x4096xi32>
    %reduce_min3A_218 = arith.constant dense<2147483647> : vector<256xi32>
    %reduce_min3A_219 = vector.multi_reduction <minsi>, %select_n3A_217, %reduce_min3A_218 [1] : vector<256x4096xi32> to vector<256xi32>
    %add3A_220 = vector.broadcast %mul3A_1 : i32 to vector<256xi32>
    %add3A_221 = arith.addi %reduce_min3A_219, %add3A_220 : vector<256xi32>
    %broadcast_in_dim3A_222 = vector.shape_cast %reduce_min3A_219 : vector<256xi32> to vector<256x1xi32>
    %eq3A_223 = vector.broadcast %broadcast_in_dim3A_222 : vector<256x1xi32> to vector<256x4096xi32>
    %eq3A_224 = arith.cmpi eq, %iota3A_173, %eq3A_223 : vector<256x4096xi32>
    %jit3A_225 = arith.constant 0x7F800000 : f32
    %broadcast_in_dim3A_226 = vector.broadcast %jit3A_225 : f32 to vector<256x4096xf32>
    %select_n3A_227 = arith.select %eq3A_224, %broadcast_in_dim3A_226, %select_n3A_209 : vector<256x4096xi1>, vector<256x4096xf32>
    %reduce_min3A_228 = arith.constant dense<0x7F800000> : vector<256xf32>
    %reduce_min3A_229 = vector.multi_reduction <minimumf>, %select_n3A_227, %reduce_min3A_228 [1] : vector<256x4096xf32> to vector<256xf32>
    %broadcast_in_dim3A_230 = vector.shape_cast %reduce_min3A_229 : vector<256xf32> to vector<256x1xf32>
    %eq3A_231 = vector.broadcast %broadcast_in_dim3A_230 : vector<256x1xf32> to vector<256x4096xf32>
    %eq3A_232 = arith.cmpf oeq, %select_n3A_227, %eq3A_231 : vector<256x4096xf32>
    %jit3A_233 = arith.constant 4096 : i32
    %broadcast_in_dim3A_234 = vector.broadcast %jit3A_233 : i32 to vector<256x4096xi32>
    %select_n3A_235 = arith.select %eq3A_232, %iota3A_173, %broadcast_in_dim3A_234 : vector<256x4096xi1>, vector<256x4096xi32>
    %reduce_min3A_236 = arith.constant dense<2147483647> : vector<256xi32>
    %reduce_min3A_237 = vector.multi_reduction <minsi>, %select_n3A_235, %reduce_min3A_236 [1] : vector<256x4096xi32> to vector<256xi32>
    %add3A_238 = vector.broadcast %mul3A_1 : i32 to vector<256xi32>
    %add3A_239 = arith.addi %reduce_min3A_237, %add3A_238 : vector<256xi32>
    %broadcast_in_dim3A_240 = vector.shape_cast %reduce_min3A_237 : vector<256xi32> to vector<256x1xi32>
    %eq3A_241 = vector.broadcast %broadcast_in_dim3A_240 : vector<256x1xi32> to vector<256x4096xi32>
    %eq3A_242 = arith.cmpi eq, %iota3A_173, %eq3A_241 : vector<256x4096xi32>
    %jit3A_243 = arith.constant 0x7F800000 : f32
    %broadcast_in_dim3A_244 = vector.broadcast %jit3A_243 : f32 to vector<256x4096xf32>
    %select_n3A_245 = arith.select %eq3A_242, %broadcast_in_dim3A_244, %select_n3A_227 : vector<256x4096xi1>, vector<256x4096xf32>
    %reduce_min3A_246 = arith.constant dense<0x7F800000> : vector<256xf32>
    %reduce_min3A_247 = vector.multi_reduction <minimumf>, %select_n3A_245, %reduce_min3A_246 [1] : vector<256x4096xf32> to vector<256xf32>
    %broadcast_in_dim3A_248 = vector.shape_cast %reduce_min3A_247 : vector<256xf32> to vector<256x1xf32>
    %eq3A_249 = vector.broadcast %broadcast_in_dim3A_248 : vector<256x1xf32> to vector<256x4096xf32>
    %eq3A_250 = arith.cmpf oeq, %select_n3A_245, %eq3A_249 : vector<256x4096xf32>
    %jit3A_251 = arith.constant 4096 : i32
    %broadcast_in_dim3A_252 = vector.broadcast %jit3A_251 : i32 to vector<256x4096xi32>
    %select_n3A_253 = arith.select %eq3A_250, %iota3A_173, %broadcast_in_dim3A_252 : vector<256x4096xi1>, vector<256x4096xi32>
    %reduce_min3A_254 = arith.constant dense<2147483647> : vector<256xi32>
    %reduce_min3A_255 = vector.multi_reduction <minsi>, %select_n3A_253, %reduce_min3A_254 [1] : vector<256x4096xi32> to vector<256xi32>
    %add3A_256 = vector.broadcast %mul3A_1 : i32 to vector<256xi32>
    %add3A_257 = arith.addi %reduce_min3A_255, %add3A_256 : vector<256xi32>
    %broadcast_in_dim3A_258 = vector.shape_cast %reduce_min3A_255 : vector<256xi32> to vector<256x1xi32>
    %eq3A_259 = vector.broadcast %broadcast_in_dim3A_258 : vector<256x1xi32> to vector<256x4096xi32>
    %eq3A_260 = arith.cmpi eq, %iota3A_173, %eq3A_259 : vector<256x4096xi32>
    %jit3A_261 = arith.constant 0x7F800000 : f32
    %broadcast_in_dim3A_262 = vector.broadcast %jit3A_261 : f32 to vector<256x4096xf32>
    %select_n3A_263 = arith.select %eq3A_260, %broadcast_in_dim3A_262, %select_n3A_245 : vector<256x4096xi1>, vector<256x4096xf32>
    %reduce_min3A_264 = arith.constant dense<0x7F800000> : vector<256xf32>
    %reduce_min3A_265 = vector.multi_reduction <minimumf>, %select_n3A_263, %reduce_min3A_264 [1] : vector<256x4096xf32> to vector<256xf32>
    %broadcast_in_dim3A_266 = vector.shape_cast %reduce_min3A_265 : vector<256xf32> to vector<256x1xf32>
    %eq3A_267 = vector.broadcast %broadcast_in_dim3A_266 : vector<256x1xf32> to vector<256x4096xf32>
    %eq3A_268 = arith.cmpf oeq, %select_n3A_263, %eq3A_267 : vector<256x4096xf32>
    %jit3A_269 = arith.constant 4096 : i32
    %broadcast_in_dim3A_270 = vector.broadcast %jit3A_269 : i32 to vector<256x4096xi32>
    %select_n3A_271 = arith.select %eq3A_268, %iota3A_173, %broadcast_in_dim3A_270 : vector<256x4096xi1>, vector<256x4096xi32>
    %reduce_min3A_272 = arith.constant dense<2147483647> : vector<256xi32>
    %reduce_min3A_273 = vector.multi_reduction <minsi>, %select_n3A_271, %reduce_min3A_272 [1] : vector<256x4096xi32> to vector<256xi32>
    %add3A_274 = vector.broadcast %mul3A_1 : i32 to vector<256xi32>
    %add3A_275 = arith.addi %reduce_min3A_273, %add3A_274 : vector<256xi32>
    %broadcast_in_dim3A_276 = vector.shape_cast %reduce_min3A_273 : vector<256xi32> to vector<256x1xi32>
    %eq3A_277 = vector.broadcast %broadcast_in_dim3A_276 : vector<256x1xi32> to vector<256x4096xi32>
    %eq3A_278 = arith.cmpi eq, %iota3A_173, %eq3A_277 : vector<256x4096xi32>
    %jit3A_279 = arith.constant 0x7F800000 : f32
    %broadcast_in_dim3A_280 = vector.broadcast %jit3A_279 : f32 to vector<256x4096xf32>
    %select_n3A_281 = arith.select %eq3A_278, %broadcast_in_dim3A_280, %select_n3A_263 : vector<256x4096xi1>, vector<256x4096xf32>
    %reduce_min3A_282 = arith.constant dense<0x7F800000> : vector<256xf32>
    %reduce_min3A_283 = vector.multi_reduction <minimumf>, %select_n3A_281, %reduce_min3A_282 [1] : vector<256x4096xf32> to vector<256xf32>
    %broadcast_in_dim3A_284 = vector.shape_cast %reduce_min3A_283 : vector<256xf32> to vector<256x1xf32>
    %eq3A_285 = vector.broadcast %broadcast_in_dim3A_284 : vector<256x1xf32> to vector<256x4096xf32>
    %eq3A_286 = arith.cmpf oeq, %select_n3A_281, %eq3A_285 : vector<256x4096xf32>
    %jit3A_287 = arith.constant 4096 : i32
    %broadcast_in_dim3A_288 = vector.broadcast %jit3A_287 : i32 to vector<256x4096xi32>
    %select_n3A_289 = arith.select %eq3A_286, %iota3A_173, %broadcast_in_dim3A_288 : vector<256x4096xi1>, vector<256x4096xi32>
    %reduce_min3A_290 = arith.constant dense<2147483647> : vector<256xi32>
    %reduce_min3A_291 = vector.multi_reduction <minsi>, %select_n3A_289, %reduce_min3A_290 [1] : vector<256x4096xi32> to vector<256xi32>
    %add3A_292 = vector.broadcast %mul3A_1 : i32 to vector<256xi32>
    %add3A_293 = arith.addi %reduce_min3A_291, %add3A_292 : vector<256xi32>
    %broadcast_in_dim3A_294 = vector.shape_cast %reduce_min3A_291 : vector<256xi32> to vector<256x1xi32>
    %eq3A_295 = vector.broadcast %broadcast_in_dim3A_294 : vector<256x1xi32> to vector<256x4096xi32>
    %eq3A_296 = arith.cmpi eq, %iota3A_173, %eq3A_295 : vector<256x4096xi32>
    %jit3A_297 = arith.constant 0x7F800000 : f32
    %broadcast_in_dim3A_298 = vector.broadcast %jit3A_297 : f32 to vector<256x4096xf32>
    %select_n3A_299 = arith.select %eq3A_296, %broadcast_in_dim3A_298, %select_n3A_281 : vector<256x4096xi1>, vector<256x4096xf32>
    %reduce_min3A_300 = arith.constant dense<0x7F800000> : vector<256xf32>
    %reduce_min3A_301 = vector.multi_reduction <minimumf>, %select_n3A_299, %reduce_min3A_300 [1] : vector<256x4096xf32> to vector<256xf32>
    %broadcast_in_dim3A_302 = vector.shape_cast %reduce_min3A_301 : vector<256xf32> to vector<256x1xf32>
    %eq3A_303 = vector.broadcast %broadcast_in_dim3A_302 : vector<256x1xf32> to vector<256x4096xf32>
    %eq3A_304 = arith.cmpf oeq, %select_n3A_299, %eq3A_303 : vector<256x4096xf32>
    %jit3A_305 = arith.constant 4096 : i32
    %broadcast_in_dim3A_306 = vector.broadcast %jit3A_305 : i32 to vector<256x4096xi32>
    %select_n3A_307 = arith.select %eq3A_304, %iota3A_173, %broadcast_in_dim3A_306 : vector<256x4096xi1>, vector<256x4096xi32>
    %reduce_min3A_308 = arith.constant dense<2147483647> : vector<256xi32>
    %reduce_min3A_309 = vector.multi_reduction <minsi>, %select_n3A_307, %reduce_min3A_308 [1] : vector<256x4096xi32> to vector<256xi32>
    %add3A_310 = vector.broadcast %mul3A_1 : i32 to vector<256xi32>
    %add3A_311 = arith.addi %reduce_min3A_309, %add3A_310 : vector<256xi32>
    %broadcast_in_dim3A_312 = vector.shape_cast %add3A_46 : vector<256xi32> to vector<256x1xi32>
    %broadcast_in_dim3A_313 = vector.shape_cast %add3A_64 : vector<256xi32> to vector<256x1xi32>
    %broadcast_in_dim3A_314 = vector.shape_cast %add3A_82 : vector<256xi32> to vector<256x1xi32>
    %broadcast_in_dim3A_315 = vector.shape_cast %add3A_100 : vector<256xi32> to vector<256x1xi32>
    %broadcast_in_dim3A_316 = vector.shape_cast %add3A_118 : vector<256xi32> to vector<256x1xi32>
    %broadcast_in_dim3A_317 = vector.shape_cast %add3A_136 : vector<256xi32> to vector<256x1xi32>
    %broadcast_in_dim3A_318 = vector.shape_cast %add3A_154 : vector<256xi32> to vector<256x1xi32>
    %broadcast_in_dim3A_319 = vector.shape_cast %add3A_172 : vector<256xi32> to vector<256x1xi32>
    %broadcast_in_dim3A_320 = vector.shape_cast %add3A_185 : vector<256xi32> to vector<256x1xi32>
    %broadcast_in_dim3A_321 = vector.shape_cast %add3A_203 : vector<256xi32> to vector<256x1xi32>
    %broadcast_in_dim3A_322 = vector.shape_cast %add3A_221 : vector<256xi32> to vector<256x1xi32>
    %broadcast_in_dim3A_323 = vector.shape_cast %add3A_239 : vector<256xi32> to vector<256x1xi32>
    %broadcast_in_dim3A_324 = vector.shape_cast %add3A_257 : vector<256xi32> to vector<256x1xi32>
    %broadcast_in_dim3A_325 = vector.shape_cast %add3A_275 : vector<256xi32> to vector<256x1xi32>
    %broadcast_in_dim3A_326 = vector.shape_cast %add3A_293 : vector<256xi32> to vector<256x1xi32>
    %broadcast_in_dim3A_327 = vector.shape_cast %add3A_311 : vector<256xi32> to vector<256x1xi32>
    %concatenate3A = tpu.concatenate %broadcast_in_dim3A_312, %broadcast_in_dim3A_313, %broadcast_in_dim3A_314, %broadcast_in_dim3A_315, %broadcast_in_dim3A_316, %broadcast_in_dim3A_317, %broadcast_in_dim3A_318, %broadcast_in_dim3A_319, %broadcast_in_dim3A_320, %broadcast_in_dim3A_321, %broadcast_in_dim3A_322, %broadcast_in_dim3A_323, %broadcast_in_dim3A_324, %broadcast_in_dim3A_325, %broadcast_in_dim3A_326, %broadcast_in_dim3A_327 in 1 : vector<256x1xi32>, vector<256x1xi32>, vector<256x1xi32>, vector<256x1xi32>, vector<256x1xi32>, vector<256x1xi32>, vector<256x1xi32>, vector<256x1xi32>, vector<256x1xi32>, vector<256x1xi32>, vector<256x1xi32>, vector<256x1xi32>, vector<256x1xi32>, vector<256x1xi32>, vector<256x1xi32>, vector<256x1xi32> -> vector<256x16xi32>
    %swap3A = arith.constant 0 : index
    %swap3A_328 = arith.constant 0 : index
    %swap3A_329 = arith.constant 0 : index
    %swap3A_330 = vector.load %arg6[%swap3A, %swap3A_328, %swap3A_329] : memref<1x256x16xi32, #tpu.memory_space<vmem>>, vector<1x256x16xi32>
    %swap3A_331 = vector.shape_cast %swap3A_330 : vector<1x256x16xi32> to vector<256x16xi32>
    %swap3A_332 = vector.shape_cast %concatenate3A : vector<256x16xi32> to vector<1x256x16xi32>
    tpu.vector_store %arg6[%swap3A, %swap3A_328, %swap3A_329], %swap3A_332 {strides = array<i32>} : memref<1x256x16xi32, #tpu.memory_space<vmem>>, vector<1x256x16xi32>,
    return
  }
  func.func @transform_0(%arg0: i32, %arg1: i32) -> (i32, i32, i32) {
    %c0_i32 = arith.constant 0 : i32
    %c0_i32_0 = arith.constant 0 : i32
    return %arg0, %arg1, %c0_i32 : i32, i32, i32
  }
  func.func @transform_1(%arg0: i32, %arg1: i32) -> (i32, i32, i32) {
    %c0_i32 = arith.constant 0 : i32
    %c0_i32_0 = arith.constant 0 : i32
    %c0_i32_1 = arith.constant 0 : i32
    return %arg0, %c0_i32, %c0_i32_0 : i32, i32, i32
  }
  func.func @transform_2(%arg0: i32, %arg1: i32) -> (i32, i32, i32) {
    %c0_i32 = arith.constant 0 : i32
    %c0_i32_0 = arith.constant 0 : i32
    return %arg0, %arg1, %c0_i32 : i32, i32, i32
  }
  func.func @transform_3(%arg0: i32, %arg1: i32) -> (i32, i32, i32) {
    %c0_i32 = arith.constant 0 : i32
    %c0_i32_0 = arith.constant 0 : i32
    %c0_i32_1 = arith.constant 0 : i32
    return %arg0, %c0_i32, %c0_i32_0 : i32, i32, i32
  }
  func.func @transform_4(%arg0: i32, %arg1: i32) -> (i32, i32, i32) {
    %c0_i32 = arith.constant 0 : i32
    %c0_i32_0 = arith.constant 0 : i32
    return %arg0, %arg1, %c0_i32 : i32, i32, i32
  }
}

module attributes {stable_mosaic.version = 14 : i64} {
  func.func @_mlp_body(%arg0: i32, %arg1: i32, %arg2: i32, %arg3: memref<1x1x16x256x128xf32, #tpu.memory_space<vmem>>, %arg4: memref<1x1x256x128xf32, #tpu.memory_space<vmem>>, %arg5: memref<128x128xf32, #tpu.memory_space<vmem>>, %arg6: memref<1x128xf32, #tpu.memory_space<vmem>>, %arg7: memref<128x128xf32, #tpu.memory_space<vmem>>, %arg8: memref<128x1xf32, #tpu.memory_space<vmem>>, %arg9: memref<1x1x128x256xf32, #tpu.memory_space<vmem>>) attributes {dimension_semantics = [#tpu.dimension_semantics<arbitrary>, #tpu.dimension_semantics<arbitrary>, #tpu.dimension_semantics<arbitrary>], iteration_bounds = array<i64: 2, 2, 16>, scalar_prefetch = 0 : i64, scratch_operands = 0 : i64, tpu.core_type = #tpu.core_type<tc>, window_params = [{transform_indices = @transform_0, window_bounds = array<i64: 1, 1, 16, 256, 128>}, {transform_indices = @transform_1, window_bounds = array<i64: 1, 1, 256, 128>}, {pipeline_mode = #tpu.pipeline_mode<synchronous>, transform_indices = @transform_2, window_bounds = array<i64: 128, 128>}, {pipeline_mode = #tpu.pipeline_mode<synchronous>, transform_indices = @transform_3, window_bounds = array<i64: 1, 128>}, {pipeline_mode = #tpu.pipeline_mode<synchronous>, transform_indices = @transform_4, window_bounds = array<i64: 128, 128>}, {pipeline_mode = #tpu.pipeline_mode<synchronous>, transform_indices = @transform_5, window_bounds = array<i64: 128, 1>}, {transform_indices = @transform_6, window_bounds = array<i64: 1, 1, 128, 256>}]} {
    %get3A = arith.constant 0 : index
    %get3A_0 = arith.constant 0 : index
    %get3A_1 = arith.constant 0 : index
    %get3A_2 = arith.constant 0 : index
    %get3A_3 = vector.load %arg4[%get3A, %get3A_0, %get3A_1, %get3A_2] : memref<1x1x256x128xf32, #tpu.memory_space<vmem>>, vector<1x1x256x128xf32>
    %get3A_4 = vector.shape_cast %get3A_3 : vector<1x1x256x128xf32> to vector<256x128xf32>
    %get3A_5 = arith.constant 0 : index
    %get3A_6 = arith.constant 0 : index
    %get3A_7 = vector.load %arg5[%get3A_5, %get3A_6] : memref<128x128xf32, #tpu.memory_space<vmem>>, vector<128x128xf32>
    %get3A_8 = arith.constant 0 : index
    %get3A_9 = arith.constant 0 : index
    %get3A_10 = vector.load %arg7[%get3A_8, %get3A_9] : memref<128x128xf32, #tpu.memory_space<vmem>>, vector<128x128xf32>
    %get3A_11 = arith.constant 0 : index
    %get3A_12 = arith.constant 0 : index
    %get3A_13 = vector.load %arg6[%get3A_11, %get3A_12] : memref<1x128xf32, #tpu.memory_space<vmem>>, vector<1x128xf32>
    %get3A_14 = arith.constant 0 : index
    %get3A_15 = arith.constant 0 : index
    %get3A_16 = vector.load %arg8[%get3A_14, %get3A_15] : memref<128x1xf32, #tpu.memory_space<vmem>>, vector<128x1xf32>
    %get3A_17 = arith.constant 0 : index
    %get3A_18 = arith.constant 0 : index
    %get3A_19 = arith.constant 0 : index
    %get3A_20 = arith.constant 0 : index
    %get3A_21 = arith.constant 0 : index
    %get3A_22 = vector.load %arg3[%get3A_17, %get3A_18, %get3A_19, %get3A_20, %get3A_21] : memref<1x1x16x256x128xf32, #tpu.memory_space<vmem>>, vector<1x1x1x256x128xf32>
    %get3A_23 = vector.shape_cast %get3A_22 : vector<1x1x1x256x128xf32> to vector<256x128xf32>
    %add3A = arith.addf %get3A_23, %get3A_4 : vector<256x128xf32>
    %gt3A = arith.constant 0.000000e+00 : f32
    %gt3A_24 = vector.broadcast %gt3A : f32 to vector<256x128xf32>
    %gt3A_25 = arith.cmpf ogt, %add3A, %gt3A_24 : vector<256x128xf32>
    %mul3A = arith.constant 1.000000e-01 : f32
    %mul3A_26 = vector.broadcast %mul3A : f32 to vector<256x128xf32>
    %mul3A_27 = arith.mulf %mul3A_26, %add3A : vector<256x128xf32>
    %select_n3A = arith.select %gt3A_25, %add3A, %mul3A_27 : vector<256x128xi1>, vector<256x128xf32>
    %dot_general3A = arith.constant dense<0.000000e+00> : vector<256x128xf32>
    %dot_general3A_28 = tpu.matmul %select_n3A, %get3A_7, %dot_general3A {dimension_numbers = #tpu.dot_dimension_numbers<[1], [1], [0], [0], [0, 0, 1, 0], [], []>, transpose_lhs_hint = false} : vector<256x128xf32>, vector<128x128xf32>, vector<256x128xf32> -> vector<256x128xf32>
    %add3A_29 = vector.broadcast %get3A_13 : vector<1x128xf32> to vector<256x128xf32>
    %add3A_30 = arith.addf %dot_general3A_28, %add3A_29 : vector<256x128xf32>
    %gt3A_31 = arith.constant 0.000000e+00 : f32
    %gt3A_32 = vector.broadcast %gt3A_31 : f32 to vector<256x128xf32>
    %gt3A_33 = arith.cmpf ogt, %add3A_30, %gt3A_32 : vector<256x128xf32>
    %mul3A_34 = arith.constant 1.000000e-01 : f32
    %mul3A_35 = vector.broadcast %mul3A_34 : f32 to vector<256x128xf32>
    %mul3A_36 = arith.mulf %mul3A_35, %add3A_30 : vector<256x128xf32>
    %select_n3A_37 = arith.select %gt3A_33, %add3A_30, %mul3A_36 : vector<256x128xi1>, vector<256x128xf32>
    %dot_general3A_38 = arith.constant dense<0.000000e+00> : vector<128x256xf32>
    %dot_general3A_39 = tpu.matmul %get3A_10, %select_n3A_37, %dot_general3A_38 {dimension_numbers = #tpu.dot_dimension_numbers<[1], [1], [0], [0], [0, 0, 1, 0], [], []>, transpose_lhs_hint = false} : vector<128x128xf32>, vector<256x128xf32>, vector<128x256xf32> -> vector<128x256xf32>
    %add3A_40 = vector.broadcast %get3A_16 : vector<128x1xf32> to vector<128x256xf32>
    %add3A_41 = arith.addf %dot_general3A_39, %add3A_40 : vector<128x256xf32>
    %gt3A_42 = arith.constant 0.000000e+00 : f32
    %gt3A_43 = vector.broadcast %gt3A_42 : f32 to vector<128x256xf32>
    %gt3A_44 = arith.cmpf ogt, %add3A_41, %gt3A_43 : vector<128x256xf32>
    %mul3A_45 = arith.constant 1.000000e-01 : f32
    %mul3A_46 = vector.broadcast %mul3A_45 : f32 to vector<128x256xf32>
    %mul3A_47 = arith.mulf %mul3A_46, %add3A_41 : vector<128x256xf32>
    %select_n3A_48 = arith.select %gt3A_44, %add3A_41, %mul3A_47 : vector<128x256xi1>, vector<128x256xf32>
    %get3A_49 = arith.constant 0 : index
    %get3A_50 = arith.constant 0 : index
    %get3A_51 = arith.constant 1 : index
    %get3A_52 = arith.constant 0 : index
    %get3A_53 = arith.constant 0 : index
    %get3A_54 = vector.load %arg3[%get3A_49, %get3A_50, %get3A_51, %get3A_52, %get3A_53] : memref<1x1x16x256x128xf32, #tpu.memory_space<vmem>>, vector<1x1x1x256x128xf32>
    %get3A_55 = vector.shape_cast %get3A_54 : vector<1x1x1x256x128xf32> to vector<256x128xf32>
    %add3A_56 = arith.addf %get3A_55, %get3A_4 : vector<256x128xf32>
    %gt3A_57 = arith.constant 0.000000e+00 : f32
    %gt3A_58 = vector.broadcast %gt3A_57 : f32 to vector<256x128xf32>
    %gt3A_59 = arith.cmpf ogt, %add3A_56, %gt3A_58 : vector<256x128xf32>
    %mul3A_60 = arith.constant 1.000000e-01 : f32
    %mul3A_61 = vector.broadcast %mul3A_60 : f32 to vector<256x128xf32>
    %mul3A_62 = arith.mulf %mul3A_61, %add3A_56 : vector<256x128xf32>
    %select_n3A_63 = arith.select %gt3A_59, %add3A_56, %mul3A_62 : vector<256x128xi1>, vector<256x128xf32>
    %dot_general3A_64 = arith.constant dense<0.000000e+00> : vector<256x128xf32>
    %dot_general3A_65 = tpu.matmul %select_n3A_63, %get3A_7, %dot_general3A_64 {dimension_numbers = #tpu.dot_dimension_numbers<[1], [1], [0], [0], [0, 0, 1, 0], [], []>, transpose_lhs_hint = false} : vector<256x128xf32>, vector<128x128xf32>, vector<256x128xf32> -> vector<256x128xf32>
    %add3A_66 = vector.broadcast %get3A_13 : vector<1x128xf32> to vector<256x128xf32>
    %add3A_67 = arith.addf %dot_general3A_65, %add3A_66 : vector<256x128xf32>
    %gt3A_68 = arith.constant 0.000000e+00 : f32
    %gt3A_69 = vector.broadcast %gt3A_68 : f32 to vector<256x128xf32>
    %gt3A_70 = arith.cmpf ogt, %add3A_67, %gt3A_69 : vector<256x128xf32>
    %mul3A_71 = arith.constant 1.000000e-01 : f32
    %mul3A_72 = vector.broadcast %mul3A_71 : f32 to vector<256x128xf32>
    %mul3A_73 = arith.mulf %mul3A_72, %add3A_67 : vector<256x128xf32>
    %select_n3A_74 = arith.select %gt3A_70, %add3A_67, %mul3A_73 : vector<256x128xi1>, vector<256x128xf32>
    %dot_general3A_75 = arith.constant dense<0.000000e+00> : vector<128x256xf32>
    %dot_general3A_76 = tpu.matmul %get3A_10, %select_n3A_74, %dot_general3A_75 {dimension_numbers = #tpu.dot_dimension_numbers<[1], [1], [0], [0], [0, 0, 1, 0], [], []>, transpose_lhs_hint = false} : vector<128x128xf32>, vector<256x128xf32>, vector<128x256xf32> -> vector<128x256xf32>
    %add3A_77 = vector.broadcast %get3A_16 : vector<128x1xf32> to vector<128x256xf32>
    %add3A_78 = arith.addf %dot_general3A_76, %add3A_77 : vector<128x256xf32>
    %gt3A_79 = arith.constant 0.000000e+00 : f32
    %gt3A_80 = vector.broadcast %gt3A_79 : f32 to vector<128x256xf32>
    %gt3A_81 = arith.cmpf ogt, %add3A_78, %gt3A_80 : vector<128x256xf32>
    %mul3A_82 = arith.constant 1.000000e-01 : f32
    %mul3A_83 = vector.broadcast %mul3A_82 : f32 to vector<128x256xf32>
    %mul3A_84 = arith.mulf %mul3A_83, %add3A_78 : vector<128x256xf32>
    %select_n3A_85 = arith.select %gt3A_81, %add3A_78, %mul3A_84 : vector<128x256xi1>, vector<128x256xf32>
    %max3A = arith.maximumf %select_n3A_48, %select_n3A_85 : vector<128x256xf32>
    %get3A_86 = arith.constant 0 : index
    %get3A_87 = arith.constant 0 : index
    %get3A_88 = arith.constant 2 : index
    %get3A_89 = arith.constant 0 : index
    %get3A_90 = arith.constant 0 : index
    %get3A_91 = vector.load %arg3[%get3A_86, %get3A_87, %get3A_88, %get3A_89, %get3A_90] : memref<1x1x16x256x128xf32, #tpu.memory_space<vmem>>, vector<1x1x1x256x128xf32>
    %get3A_92 = vector.shape_cast %get3A_91 : vector<1x1x1x256x128xf32> to vector<256x128xf32>
    %add3A_93 = arith.addf %get3A_92, %get3A_4 : vector<256x128xf32>
    %gt3A_94 = arith.constant 0.000000e+00 : f32
    %gt3A_95 = vector.broadcast %gt3A_94 : f32 to vector<256x128xf32>
    %gt3A_96 = arith.cmpf ogt, %add3A_93, %gt3A_95 : vector<256x128xf32>
    %mul3A_97 = arith.constant 1.000000e-01 : f32
    %mul3A_98 = vector.broadcast %mul3A_97 : f32 to vector<256x128xf32>
    %mul3A_99 = arith.mulf %mul3A_98, %add3A_93 : vector<256x128xf32>
    %select_n3A_100 = arith.select %gt3A_96, %add3A_93, %mul3A_99 : vector<256x128xi1>, vector<256x128xf32>
    %dot_general3A_101 = arith.constant dense<0.000000e+00> : vector<256x128xf32>
    %dot_general3A_102 = tpu.matmul %select_n3A_100, %get3A_7, %dot_general3A_101 {dimension_numbers = #tpu.dot_dimension_numbers<[1], [1], [0], [0], [0, 0, 1, 0], [], []>, transpose_lhs_hint = false} : vector<256x128xf32>, vector<128x128xf32>, vector<256x128xf32> -> vector<256x128xf32>
    %add3A_103 = vector.broadcast %get3A_13 : vector<1x128xf32> to vector<256x128xf32>
    %add3A_104 = arith.addf %dot_general3A_102, %add3A_103 : vector<256x128xf32>
    %gt3A_105 = arith.constant 0.000000e+00 : f32
    %gt3A_106 = vector.broadcast %gt3A_105 : f32 to vector<256x128xf32>
    %gt3A_107 = arith.cmpf ogt, %add3A_104, %gt3A_106 : vector<256x128xf32>
    %mul3A_108 = arith.constant 1.000000e-01 : f32
    %mul3A_109 = vector.broadcast %mul3A_108 : f32 to vector<256x128xf32>
    %mul3A_110 = arith.mulf %mul3A_109, %add3A_104 : vector<256x128xf32>
    %select_n3A_111 = arith.select %gt3A_107, %add3A_104, %mul3A_110 : vector<256x128xi1>, vector<256x128xf32>
    %dot_general3A_112 = arith.constant dense<0.000000e+00> : vector<128x256xf32>
    %dot_general3A_113 = tpu.matmul %get3A_10, %select_n3A_111, %dot_general3A_112 {dimension_numbers = #tpu.dot_dimension_numbers<[1], [1], [0], [0], [0, 0, 1, 0], [], []>, transpose_lhs_hint = false} : vector<128x128xf32>, vector<256x128xf32>, vector<128x256xf32> -> vector<128x256xf32>
    %add3A_114 = vector.broadcast %get3A_16 : vector<128x1xf32> to vector<128x256xf32>
    %add3A_115 = arith.addf %dot_general3A_113, %add3A_114 : vector<128x256xf32>
    %gt3A_116 = arith.constant 0.000000e+00 : f32
    %gt3A_117 = vector.broadcast %gt3A_116 : f32 to vector<128x256xf32>
    %gt3A_118 = arith.cmpf ogt, %add3A_115, %gt3A_117 : vector<128x256xf32>
    %mul3A_119 = arith.constant 1.000000e-01 : f32
    %mul3A_120 = vector.broadcast %mul3A_119 : f32 to vector<128x256xf32>
    %mul3A_121 = arith.mulf %mul3A_120, %add3A_115 : vector<128x256xf32>
    %select_n3A_122 = arith.select %gt3A_118, %add3A_115, %mul3A_121 : vector<128x256xi1>, vector<128x256xf32>
    %max3A_123 = arith.maximumf %max3A, %select_n3A_122 : vector<128x256xf32>
    %get3A_124 = arith.constant 0 : index
    %get3A_125 = arith.constant 0 : index
    %get3A_126 = arith.constant 3 : index
    %get3A_127 = arith.constant 0 : index
    %get3A_128 = arith.constant 0 : index
    %get3A_129 = vector.load %arg3[%get3A_124, %get3A_125, %get3A_126, %get3A_127, %get3A_128] : memref<1x1x16x256x128xf32, #tpu.memory_space<vmem>>, vector<1x1x1x256x128xf32>
    %get3A_130 = vector.shape_cast %get3A_129 : vector<1x1x1x256x128xf32> to vector<256x128xf32>
    %add3A_131 = arith.addf %get3A_130, %get3A_4 : vector<256x128xf32>
    %gt3A_132 = arith.constant 0.000000e+00 : f32
    %gt3A_133 = vector.broadcast %gt3A_132 : f32 to vector<256x128xf32>
    %gt3A_134 = arith.cmpf ogt, %add3A_131, %gt3A_133 : vector<256x128xf32>
    %mul3A_135 = arith.constant 1.000000e-01 : f32
    %mul3A_136 = vector.broadcast %mul3A_135 : f32 to vector<256x128xf32>
    %mul3A_137 = arith.mulf %mul3A_136, %add3A_131 : vector<256x128xf32>
    %select_n3A_138 = arith.select %gt3A_134, %add3A_131, %mul3A_137 : vector<256x128xi1>, vector<256x128xf32>
    %dot_general3A_139 = arith.constant dense<0.000000e+00> : vector<256x128xf32>
    %dot_general3A_140 = tpu.matmul %select_n3A_138, %get3A_7, %dot_general3A_139 {dimension_numbers = #tpu.dot_dimension_numbers<[1], [1], [0], [0], [0, 0, 1, 0], [], []>, transpose_lhs_hint = false} : vector<256x128xf32>, vector<128x128xf32>, vector<256x128xf32> -> vector<256x128xf32>
    %add3A_141 = vector.broadcast %get3A_13 : vector<1x128xf32> to vector<256x128xf32>
    %add3A_142 = arith.addf %dot_general3A_140, %add3A_141 : vector<256x128xf32>
    %gt3A_143 = arith.constant 0.000000e+00 : f32
    %gt3A_144 = vector.broadcast %gt3A_143 : f32 to vector<256x128xf32>
    %gt3A_145 = arith.cmpf ogt, %add3A_142, %gt3A_144 : vector<256x128xf32>
    %mul3A_146 = arith.constant 1.000000e-01 : f32
    %mul3A_147 = vector.broadcast %mul3A_146 : f32 to vector<256x128xf32>
    %mul3A_148 = arith.mulf %mul3A_147, %add3A_142 : vector<256x128xf32>
    %select_n3A_149 = arith.select %gt3A_145, %add3A_142, %mul3A_148 : vector<256x128xi1>, vector<256x128xf32>
    %dot_general3A_150 = arith.constant dense<0.000000e+00> : vector<128x256xf32>
    %dot_general3A_151 = tpu.matmul %get3A_10, %select_n3A_149, %dot_general3A_150 {dimension_numbers = #tpu.dot_dimension_numbers<[1], [1], [0], [0], [0, 0, 1, 0], [], []>, transpose_lhs_hint = false} : vector<128x128xf32>, vector<256x128xf32>, vector<128x256xf32> -> vector<128x256xf32>
    %add3A_152 = vector.broadcast %get3A_16 : vector<128x1xf32> to vector<128x256xf32>
    %add3A_153 = arith.addf %dot_general3A_151, %add3A_152 : vector<128x256xf32>
    %gt3A_154 = arith.constant 0.000000e+00 : f32
    %gt3A_155 = vector.broadcast %gt3A_154 : f32 to vector<128x256xf32>
    %gt3A_156 = arith.cmpf ogt, %add3A_153, %gt3A_155 : vector<128x256xf32>
    %mul3A_157 = arith.constant 1.000000e-01 : f32
    %mul3A_158 = vector.broadcast %mul3A_157 : f32 to vector<128x256xf32>
    %mul3A_159 = arith.mulf %mul3A_158, %add3A_153 : vector<128x256xf32>
    %select_n3A_160 = arith.select %gt3A_156, %add3A_153, %mul3A_159 : vector<128x256xi1>, vector<128x256xf32>
    %max3A_161 = arith.maximumf %max3A_123, %select_n3A_160 : vector<128x256xf32>
    %get3A_162 = arith.constant 0 : index
    %get3A_163 = arith.constant 0 : index
    %get3A_164 = arith.constant 4 : index
    %get3A_165 = arith.constant 0 : index
    %get3A_166 = arith.constant 0 : index
    %get3A_167 = vector.load %arg3[%get3A_162, %get3A_163, %get3A_164, %get3A_165, %get3A_166] : memref<1x1x16x256x128xf32, #tpu.memory_space<vmem>>, vector<1x1x1x256x128xf32>
    %get3A_168 = vector.shape_cast %get3A_167 : vector<1x1x1x256x128xf32> to vector<256x128xf32>
    %add3A_169 = arith.addf %get3A_168, %get3A_4 : vector<256x128xf32>
    %gt3A_170 = arith.constant 0.000000e+00 : f32
    %gt3A_171 = vector.broadcast %gt3A_170 : f32 to vector<256x128xf32>
    %gt3A_172 = arith.cmpf ogt, %add3A_169, %gt3A_171 : vector<256x128xf32>
    %mul3A_173 = arith.constant 1.000000e-01 : f32
    %mul3A_174 = vector.broadcast %mul3A_173 : f32 to vector<256x128xf32>
    %mul3A_175 = arith.mulf %mul3A_174, %add3A_169 : vector<256x128xf32>
    %select_n3A_176 = arith.select %gt3A_172, %add3A_169, %mul3A_175 : vector<256x128xi1>, vector<256x128xf32>
    %dot_general3A_177 = arith.constant dense<0.000000e+00> : vector<256x128xf32>
    %dot_general3A_178 = tpu.matmul %select_n3A_176, %get3A_7, %dot_general3A_177 {dimension_numbers = #tpu.dot_dimension_numbers<[1], [1], [0], [0], [0, 0, 1, 0], [], []>, transpose_lhs_hint = false} : vector<256x128xf32>, vector<128x128xf32>, vector<256x128xf32> -> vector<256x128xf32>
    %add3A_179 = vector.broadcast %get3A_13 : vector<1x128xf32> to vector<256x128xf32>
    %add3A_180 = arith.addf %dot_general3A_178, %add3A_179 : vector<256x128xf32>
    %gt3A_181 = arith.constant 0.000000e+00 : f32
    %gt3A_182 = vector.broadcast %gt3A_181 : f32 to vector<256x128xf32>
    %gt3A_183 = arith.cmpf ogt, %add3A_180, %gt3A_182 : vector<256x128xf32>
    %mul3A_184 = arith.constant 1.000000e-01 : f32
    %mul3A_185 = vector.broadcast %mul3A_184 : f32 to vector<256x128xf32>
    %mul3A_186 = arith.mulf %mul3A_185, %add3A_180 : vector<256x128xf32>
    %select_n3A_187 = arith.select %gt3A_183, %add3A_180, %mul3A_186 : vector<256x128xi1>, vector<256x128xf32>
    %dot_general3A_188 = arith.constant dense<0.000000e+00> : vector<128x256xf32>
    %dot_general3A_189 = tpu.matmul %get3A_10, %select_n3A_187, %dot_general3A_188 {dimension_numbers = #tpu.dot_dimension_numbers<[1], [1], [0], [0], [0, 0, 1, 0], [], []>, transpose_lhs_hint = false} : vector<128x128xf32>, vector<256x128xf32>, vector<128x256xf32> -> vector<128x256xf32>
    %add3A_190 = vector.broadcast %get3A_16 : vector<128x1xf32> to vector<128x256xf32>
    %add3A_191 = arith.addf %dot_general3A_189, %add3A_190 : vector<128x256xf32>
    %gt3A_192 = arith.constant 0.000000e+00 : f32
    %gt3A_193 = vector.broadcast %gt3A_192 : f32 to vector<128x256xf32>
    %gt3A_194 = arith.cmpf ogt, %add3A_191, %gt3A_193 : vector<128x256xf32>
    %mul3A_195 = arith.constant 1.000000e-01 : f32
    %mul3A_196 = vector.broadcast %mul3A_195 : f32 to vector<128x256xf32>
    %mul3A_197 = arith.mulf %mul3A_196, %add3A_191 : vector<128x256xf32>
    %select_n3A_198 = arith.select %gt3A_194, %add3A_191, %mul3A_197 : vector<128x256xi1>, vector<128x256xf32>
    %max3A_199 = arith.maximumf %max3A_161, %select_n3A_198 : vector<128x256xf32>
    %get3A_200 = arith.constant 0 : index
    %get3A_201 = arith.constant 0 : index
    %get3A_202 = arith.constant 5 : index
    %get3A_203 = arith.constant 0 : index
    %get3A_204 = arith.constant 0 : index
    %get3A_205 = vector.load %arg3[%get3A_200, %get3A_201, %get3A_202, %get3A_203, %get3A_204] : memref<1x1x16x256x128xf32, #tpu.memory_space<vmem>>, vector<1x1x1x256x128xf32>
    %get3A_206 = vector.shape_cast %get3A_205 : vector<1x1x1x256x128xf32> to vector<256x128xf32>
    %add3A_207 = arith.addf %get3A_206, %get3A_4 : vector<256x128xf32>
    %gt3A_208 = arith.constant 0.000000e+00 : f32
    %gt3A_209 = vector.broadcast %gt3A_208 : f32 to vector<256x128xf32>
    %gt3A_210 = arith.cmpf ogt, %add3A_207, %gt3A_209 : vector<256x128xf32>
    %mul3A_211 = arith.constant 1.000000e-01 : f32
    %mul3A_212 = vector.broadcast %mul3A_211 : f32 to vector<256x128xf32>
    %mul3A_213 = arith.mulf %mul3A_212, %add3A_207 : vector<256x128xf32>
    %select_n3A_214 = arith.select %gt3A_210, %add3A_207, %mul3A_213 : vector<256x128xi1>, vector<256x128xf32>
    %dot_general3A_215 = arith.constant dense<0.000000e+00> : vector<256x128xf32>
    %dot_general3A_216 = tpu.matmul %select_n3A_214, %get3A_7, %dot_general3A_215 {dimension_numbers = #tpu.dot_dimension_numbers<[1], [1], [0], [0], [0, 0, 1, 0], [], []>, transpose_lhs_hint = false} : vector<256x128xf32>, vector<128x128xf32>, vector<256x128xf32> -> vector<256x128xf32>
    %add3A_217 = vector.broadcast %get3A_13 : vector<1x128xf32> to vector<256x128xf32>
    %add3A_218 = arith.addf %dot_general3A_216, %add3A_217 : vector<256x128xf32>
    %gt3A_219 = arith.constant 0.000000e+00 : f32
    %gt3A_220 = vector.broadcast %gt3A_219 : f32 to vector<256x128xf32>
    %gt3A_221 = arith.cmpf ogt, %add3A_218, %gt3A_220 : vector<256x128xf32>
    %mul3A_222 = arith.constant 1.000000e-01 : f32
    %mul3A_223 = vector.broadcast %mul3A_222 : f32 to vector<256x128xf32>
    %mul3A_224 = arith.mulf %mul3A_223, %add3A_218 : vector<256x128xf32>
    %select_n3A_225 = arith.select %gt3A_221, %add3A_218, %mul3A_224 : vector<256x128xi1>, vector<256x128xf32>
    %dot_general3A_226 = arith.constant dense<0.000000e+00> : vector<128x256xf32>
    %dot_general3A_227 = tpu.matmul %get3A_10, %select_n3A_225, %dot_general3A_226 {dimension_numbers = #tpu.dot_dimension_numbers<[1], [1], [0], [0], [0, 0, 1, 0], [], []>, transpose_lhs_hint = false} : vector<128x128xf32>, vector<256x128xf32>, vector<128x256xf32> -> vector<128x256xf32>
    %add3A_228 = vector.broadcast %get3A_16 : vector<128x1xf32> to vector<128x256xf32>
    %add3A_229 = arith.addf %dot_general3A_227, %add3A_228 : vector<128x256xf32>
    %gt3A_230 = arith.constant 0.000000e+00 : f32
    %gt3A_231 = vector.broadcast %gt3A_230 : f32 to vector<128x256xf32>
    %gt3A_232 = arith.cmpf ogt, %add3A_229, %gt3A_231 : vector<128x256xf32>
    %mul3A_233 = arith.constant 1.000000e-01 : f32
    %mul3A_234 = vector.broadcast %mul3A_233 : f32 to vector<128x256xf32>
    %mul3A_235 = arith.mulf %mul3A_234, %add3A_229 : vector<128x256xf32>
    %select_n3A_236 = arith.select %gt3A_232, %add3A_229, %mul3A_235 : vector<128x256xi1>, vector<128x256xf32>
    %max3A_237 = arith.maximumf %max3A_199, %select_n3A_236 : vector<128x256xf32>
    %get3A_238 = arith.constant 0 : index
    %get3A_239 = arith.constant 0 : index
    %get3A_240 = arith.constant 6 : index
    %get3A_241 = arith.constant 0 : index
    %get3A_242 = arith.constant 0 : index
    %get3A_243 = vector.load %arg3[%get3A_238, %get3A_239, %get3A_240, %get3A_241, %get3A_242] : memref<1x1x16x256x128xf32, #tpu.memory_space<vmem>>, vector<1x1x1x256x128xf32>
    %get3A_244 = vector.shape_cast %get3A_243 : vector<1x1x1x256x128xf32> to vector<256x128xf32>
    %add3A_245 = arith.addf %get3A_244, %get3A_4 : vector<256x128xf32>
    %gt3A_246 = arith.constant 0.000000e+00 : f32
    %gt3A_247 = vector.broadcast %gt3A_246 : f32 to vector<256x128xf32>
    %gt3A_248 = arith.cmpf ogt, %add3A_245, %gt3A_247 : vector<256x128xf32>
    %mul3A_249 = arith.constant 1.000000e-01 : f32
    %mul3A_250 = vector.broadcast %mul3A_249 : f32 to vector<256x128xf32>
    %mul3A_251 = arith.mulf %mul3A_250, %add3A_245 : vector<256x128xf32>
    %select_n3A_252 = arith.select %gt3A_248, %add3A_245, %mul3A_251 : vector<256x128xi1>, vector<256x128xf32>
    %dot_general3A_253 = arith.constant dense<0.000000e+00> : vector<256x128xf32>
    %dot_general3A_254 = tpu.matmul %select_n3A_252, %get3A_7, %dot_general3A_253 {dimension_numbers = #tpu.dot_dimension_numbers<[1], [1], [0], [0], [0, 0, 1, 0], [], []>, transpose_lhs_hint = false} : vector<256x128xf32>, vector<128x128xf32>, vector<256x128xf32> -> vector<256x128xf32>
    %add3A_255 = vector.broadcast %get3A_13 : vector<1x128xf32> to vector<256x128xf32>
    %add3A_256 = arith.addf %dot_general3A_254, %add3A_255 : vector<256x128xf32>
    %gt3A_257 = arith.constant 0.000000e+00 : f32
    %gt3A_258 = vector.broadcast %gt3A_257 : f32 to vector<256x128xf32>
    %gt3A_259 = arith.cmpf ogt, %add3A_256, %gt3A_258 : vector<256x128xf32>
    %mul3A_260 = arith.constant 1.000000e-01 : f32
    %mul3A_261 = vector.broadcast %mul3A_260 : f32 to vector<256x128xf32>
    %mul3A_262 = arith.mulf %mul3A_261, %add3A_256 : vector<256x128xf32>
    %select_n3A_263 = arith.select %gt3A_259, %add3A_256, %mul3A_262 : vector<256x128xi1>, vector<256x128xf32>
    %dot_general3A_264 = arith.constant dense<0.000000e+00> : vector<128x256xf32>
    %dot_general3A_265 = tpu.matmul %get3A_10, %select_n3A_263, %dot_general3A_264 {dimension_numbers = #tpu.dot_dimension_numbers<[1], [1], [0], [0], [0, 0, 1, 0], [], []>, transpose_lhs_hint = false} : vector<128x128xf32>, vector<256x128xf32>, vector<128x256xf32> -> vector<128x256xf32>
    %add3A_266 = vector.broadcast %get3A_16 : vector<128x1xf32> to vector<128x256xf32>
    %add3A_267 = arith.addf %dot_general3A_265, %add3A_266 : vector<128x256xf32>
    %gt3A_268 = arith.constant 0.000000e+00 : f32
    %gt3A_269 = vector.broadcast %gt3A_268 : f32 to vector<128x256xf32>
    %gt3A_270 = arith.cmpf ogt, %add3A_267, %gt3A_269 : vector<128x256xf32>
    %mul3A_271 = arith.constant 1.000000e-01 : f32
    %mul3A_272 = vector.broadcast %mul3A_271 : f32 to vector<128x256xf32>
    %mul3A_273 = arith.mulf %mul3A_272, %add3A_267 : vector<128x256xf32>
    %select_n3A_274 = arith.select %gt3A_270, %add3A_267, %mul3A_273 : vector<128x256xi1>, vector<128x256xf32>
    %max3A_275 = arith.maximumf %max3A_237, %select_n3A_274 : vector<128x256xf32>
    %get3A_276 = arith.constant 0 : index
    %get3A_277 = arith.constant 0 : index
    %get3A_278 = arith.constant 7 : index
    %get3A_279 = arith.constant 0 : index
    %get3A_280 = arith.constant 0 : index
    %get3A_281 = vector.load %arg3[%get3A_276, %get3A_277, %get3A_278, %get3A_279, %get3A_280] : memref<1x1x16x256x128xf32, #tpu.memory_space<vmem>>, vector<1x1x1x256x128xf32>
    %get3A_282 = vector.shape_cast %get3A_281 : vector<1x1x1x256x128xf32> to vector<256x128xf32>
    %add3A_283 = arith.addf %get3A_282, %get3A_4 : vector<256x128xf32>
    %gt3A_284 = arith.constant 0.000000e+00 : f32
    %gt3A_285 = vector.broadcast %gt3A_284 : f32 to vector<256x128xf32>
    %gt3A_286 = arith.cmpf ogt, %add3A_283, %gt3A_285 : vector<256x128xf32>
    %mul3A_287 = arith.constant 1.000000e-01 : f32
    %mul3A_288 = vector.broadcast %mul3A_287 : f32 to vector<256x128xf32>
    %mul3A_289 = arith.mulf %mul3A_288, %add3A_283 : vector<256x128xf32>
    %select_n3A_290 = arith.select %gt3A_286, %add3A_283, %mul3A_289 : vector<256x128xi1>, vector<256x128xf32>
    %dot_general3A_291 = arith.constant dense<0.000000e+00> : vector<256x128xf32>
    %dot_general3A_292 = tpu.matmul %select_n3A_290, %get3A_7, %dot_general3A_291 {dimension_numbers = #tpu.dot_dimension_numbers<[1], [1], [0], [0], [0, 0, 1, 0], [], []>, transpose_lhs_hint = false} : vector<256x128xf32>, vector<128x128xf32>, vector<256x128xf32> -> vector<256x128xf32>
    %add3A_293 = vector.broadcast %get3A_13 : vector<1x128xf32> to vector<256x128xf32>
    %add3A_294 = arith.addf %dot_general3A_292, %add3A_293 : vector<256x128xf32>
    %gt3A_295 = arith.constant 0.000000e+00 : f32
    %gt3A_296 = vector.broadcast %gt3A_295 : f32 to vector<256x128xf32>
    %gt3A_297 = arith.cmpf ogt, %add3A_294, %gt3A_296 : vector<256x128xf32>
    %mul3A_298 = arith.constant 1.000000e-01 : f32
    %mul3A_299 = vector.broadcast %mul3A_298 : f32 to vector<256x128xf32>
    %mul3A_300 = arith.mulf %mul3A_299, %add3A_294 : vector<256x128xf32>
    %select_n3A_301 = arith.select %gt3A_297, %add3A_294, %mul3A_300 : vector<256x128xi1>, vector<256x128xf32>
    %dot_general3A_302 = arith.constant dense<0.000000e+00> : vector<128x256xf32>
    %dot_general3A_303 = tpu.matmul %get3A_10, %select_n3A_301, %dot_general3A_302 {dimension_numbers = #tpu.dot_dimension_numbers<[1], [1], [0], [0], [0, 0, 1, 0], [], []>, transpose_lhs_hint = false} : vector<128x128xf32>, vector<256x128xf32>, vector<128x256xf32> -> vector<128x256xf32>
    %add3A_304 = vector.broadcast %get3A_16 : vector<128x1xf32> to vector<128x256xf32>
    %add3A_305 = arith.addf %dot_general3A_303, %add3A_304 : vector<128x256xf32>
    %gt3A_306 = arith.constant 0.000000e+00 : f32
    %gt3A_307 = vector.broadcast %gt3A_306 : f32 to vector<128x256xf32>
    %gt3A_308 = arith.cmpf ogt, %add3A_305, %gt3A_307 : vector<128x256xf32>
    %mul3A_309 = arith.constant 1.000000e-01 : f32
    %mul3A_310 = vector.broadcast %mul3A_309 : f32 to vector<128x256xf32>
    %mul3A_311 = arith.mulf %mul3A_310, %add3A_305 : vector<128x256xf32>
    %select_n3A_312 = arith.select %gt3A_308, %add3A_305, %mul3A_311 : vector<128x256xi1>, vector<128x256xf32>
    %max3A_313 = arith.maximumf %max3A_275, %select_n3A_312 : vector<128x256xf32>
    %get3A_314 = arith.constant 0 : index
    %get3A_315 = arith.constant 0 : index
    %get3A_316 = arith.constant 8 : index
    %get3A_317 = arith.constant 0 : index
    %get3A_318 = arith.constant 0 : index
    %get3A_319 = vector.load %arg3[%get3A_314, %get3A_315, %get3A_316, %get3A_317, %get3A_318] : memref<1x1x16x256x128xf32, #tpu.memory_space<vmem>>, vector<1x1x1x256x128xf32>
    %get3A_320 = vector.shape_cast %get3A_319 : vector<1x1x1x256x128xf32> to vector<256x128xf32>
    %add3A_321 = arith.addf %get3A_320, %get3A_4 : vector<256x128xf32>
    %gt3A_322 = arith.constant 0.000000e+00 : f32
    %gt3A_323 = vector.broadcast %gt3A_322 : f32 to vector<256x128xf32>
    %gt3A_324 = arith.cmpf ogt, %add3A_321, %gt3A_323 : vector<256x128xf32>
    %mul3A_325 = arith.constant 1.000000e-01 : f32
    %mul3A_326 = vector.broadcast %mul3A_325 : f32 to vector<256x128xf32>
    %mul3A_327 = arith.mulf %mul3A_326, %add3A_321 : vector<256x128xf32>
    %select_n3A_328 = arith.select %gt3A_324, %add3A_321, %mul3A_327 : vector<256x128xi1>, vector<256x128xf32>
    %dot_general3A_329 = arith.constant dense<0.000000e+00> : vector<256x128xf32>
    %dot_general3A_330 = tpu.matmul %select_n3A_328, %get3A_7, %dot_general3A_329 {dimension_numbers = #tpu.dot_dimension_numbers<[1], [1], [0], [0], [0, 0, 1, 0], [], []>, transpose_lhs_hint = false} : vector<256x128xf32>, vector<128x128xf32>, vector<256x128xf32> -> vector<256x128xf32>
    %add3A_331 = vector.broadcast %get3A_13 : vector<1x128xf32> to vector<256x128xf32>
    %add3A_332 = arith.addf %dot_general3A_330, %add3A_331 : vector<256x128xf32>
    %gt3A_333 = arith.constant 0.000000e+00 : f32
    %gt3A_334 = vector.broadcast %gt3A_333 : f32 to vector<256x128xf32>
    %gt3A_335 = arith.cmpf ogt, %add3A_332, %gt3A_334 : vector<256x128xf32>
    %mul3A_336 = arith.constant 1.000000e-01 : f32
    %mul3A_337 = vector.broadcast %mul3A_336 : f32 to vector<256x128xf32>
    %mul3A_338 = arith.mulf %mul3A_337, %add3A_332 : vector<256x128xf32>
    %select_n3A_339 = arith.select %gt3A_335, %add3A_332, %mul3A_338 : vector<256x128xi1>, vector<256x128xf32>
    %dot_general3A_340 = arith.constant dense<0.000000e+00> : vector<128x256xf32>
    %dot_general3A_341 = tpu.matmul %get3A_10, %select_n3A_339, %dot_general3A_340 {dimension_numbers = #tpu.dot_dimension_numbers<[1], [1], [0], [0], [0, 0, 1, 0], [], []>, transpose_lhs_hint = false} : vector<128x128xf32>, vector<256x128xf32>, vector<128x256xf32> -> vector<128x256xf32>
    %add3A_342 = vector.broadcast %get3A_16 : vector<128x1xf32> to vector<128x256xf32>
    %add3A_343 = arith.addf %dot_general3A_341, %add3A_342 : vector<128x256xf32>
    %gt3A_344 = arith.constant 0.000000e+00 : f32
    %gt3A_345 = vector.broadcast %gt3A_344 : f32 to vector<128x256xf32>
    %gt3A_346 = arith.cmpf ogt, %add3A_343, %gt3A_345 : vector<128x256xf32>
    %mul3A_347 = arith.constant 1.000000e-01 : f32
    %mul3A_348 = vector.broadcast %mul3A_347 : f32 to vector<128x256xf32>
    %mul3A_349 = arith.mulf %mul3A_348, %add3A_343 : vector<128x256xf32>
    %select_n3A_350 = arith.select %gt3A_346, %add3A_343, %mul3A_349 : vector<128x256xi1>, vector<128x256xf32>
    %max3A_351 = arith.maximumf %max3A_313, %select_n3A_350 : vector<128x256xf32>
    %get3A_352 = arith.constant 0 : index
    %get3A_353 = arith.constant 0 : index
    %get3A_354 = arith.constant 9 : index
    %get3A_355 = arith.constant 0 : index
    %get3A_356 = arith.constant 0 : index
    %get3A_357 = vector.load %arg3[%get3A_352, %get3A_353, %get3A_354, %get3A_355, %get3A_356] : memref<1x1x16x256x128xf32, #tpu.memory_space<vmem>>, vector<1x1x1x256x128xf32>
    %get3A_358 = vector.shape_cast %get3A_357 : vector<1x1x1x256x128xf32> to vector<256x128xf32>
    %add3A_359 = arith.addf %get3A_358, %get3A_4 : vector<256x128xf32>
    %gt3A_360 = arith.constant 0.000000e+00 : f32
    %gt3A_361 = vector.broadcast %gt3A_360 : f32 to vector<256x128xf32>
    %gt3A_362 = arith.cmpf ogt, %add3A_359, %gt3A_361 : vector<256x128xf32>
    %mul3A_363 = arith.constant 1.000000e-01 : f32
    %mul3A_364 = vector.broadcast %mul3A_363 : f32 to vector<256x128xf32>
    %mul3A_365 = arith.mulf %mul3A_364, %add3A_359 : vector<256x128xf32>
    %select_n3A_366 = arith.select %gt3A_362, %add3A_359, %mul3A_365 : vector<256x128xi1>, vector<256x128xf32>
    %dot_general3A_367 = arith.constant dense<0.000000e+00> : vector<256x128xf32>
    %dot_general3A_368 = tpu.matmul %select_n3A_366, %get3A_7, %dot_general3A_367 {dimension_numbers = #tpu.dot_dimension_numbers<[1], [1], [0], [0], [0, 0, 1, 0], [], []>, transpose_lhs_hint = false} : vector<256x128xf32>, vector<128x128xf32>, vector<256x128xf32> -> vector<256x128xf32>
    %add3A_369 = vector.broadcast %get3A_13 : vector<1x128xf32> to vector<256x128xf32>
    %add3A_370 = arith.addf %dot_general3A_368, %add3A_369 : vector<256x128xf32>
    %gt3A_371 = arith.constant 0.000000e+00 : f32
    %gt3A_372 = vector.broadcast %gt3A_371 : f32 to vector<256x128xf32>
    %gt3A_373 = arith.cmpf ogt, %add3A_370, %gt3A_372 : vector<256x128xf32>
    %mul3A_374 = arith.constant 1.000000e-01 : f32
    %mul3A_375 = vector.broadcast %mul3A_374 : f32 to vector<256x128xf32>
    %mul3A_376 = arith.mulf %mul3A_375, %add3A_370 : vector<256x128xf32>
    %select_n3A_377 = arith.select %gt3A_373, %add3A_370, %mul3A_376 : vector<256x128xi1>, vector<256x128xf32>
    %dot_general3A_378 = arith.constant dense<0.000000e+00> : vector<128x256xf32>
    %dot_general3A_379 = tpu.matmul %get3A_10, %select_n3A_377, %dot_general3A_378 {dimension_numbers = #tpu.dot_dimension_numbers<[1], [1], [0], [0], [0, 0, 1, 0], [], []>, transpose_lhs_hint = false} : vector<128x128xf32>, vector<256x128xf32>, vector<128x256xf32> -> vector<128x256xf32>
    %add3A_380 = vector.broadcast %get3A_16 : vector<128x1xf32> to vector<128x256xf32>
    %add3A_381 = arith.addf %dot_general3A_379, %add3A_380 : vector<128x256xf32>
    %gt3A_382 = arith.constant 0.000000e+00 : f32
    %gt3A_383 = vector.broadcast %gt3A_382 : f32 to vector<128x256xf32>
    %gt3A_384 = arith.cmpf ogt, %add3A_381, %gt3A_383 : vector<128x256xf32>
    %mul3A_385 = arith.constant 1.000000e-01 : f32
    %mul3A_386 = vector.broadcast %mul3A_385 : f32 to vector<128x256xf32>
    %mul3A_387 = arith.mulf %mul3A_386, %add3A_381 : vector<128x256xf32>
    %select_n3A_388 = arith.select %gt3A_384, %add3A_381, %mul3A_387 : vector<128x256xi1>, vector<128x256xf32>
    %max3A_389 = arith.maximumf %max3A_351, %select_n3A_388 : vector<128x256xf32>
    %get3A_390 = arith.constant 0 : index
    %get3A_391 = arith.constant 0 : index
    %get3A_392 = arith.constant 10 : index
    %get3A_393 = arith.constant 0 : index
    %get3A_394 = arith.constant 0 : index
    %get3A_395 = vector.load %arg3[%get3A_390, %get3A_391, %get3A_392, %get3A_393, %get3A_394] : memref<1x1x16x256x128xf32, #tpu.memory_space<vmem>>, vector<1x1x1x256x128xf32>
    %get3A_396 = vector.shape_cast %get3A_395 : vector<1x1x1x256x128xf32> to vector<256x128xf32>
    %add3A_397 = arith.addf %get3A_396, %get3A_4 : vector<256x128xf32>
    %gt3A_398 = arith.constant 0.000000e+00 : f32
    %gt3A_399 = vector.broadcast %gt3A_398 : f32 to vector<256x128xf32>
    %gt3A_400 = arith.cmpf ogt, %add3A_397, %gt3A_399 : vector<256x128xf32>
    %mul3A_401 = arith.constant 1.000000e-01 : f32
    %mul3A_402 = vector.broadcast %mul3A_401 : f32 to vector<256x128xf32>
    %mul3A_403 = arith.mulf %mul3A_402, %add3A_397 : vector<256x128xf32>
    %select_n3A_404 = arith.select %gt3A_400, %add3A_397, %mul3A_403 : vector<256x128xi1>, vector<256x128xf32>
    %dot_general3A_405 = arith.constant dense<0.000000e+00> : vector<256x128xf32>
    %dot_general3A_406 = tpu.matmul %select_n3A_404, %get3A_7, %dot_general3A_405 {dimension_numbers = #tpu.dot_dimension_numbers<[1], [1], [0], [0], [0, 0, 1, 0], [], []>, transpose_lhs_hint = false} : vector<256x128xf32>, vector<128x128xf32>, vector<256x128xf32> -> vector<256x128xf32>
    %add3A_407 = vector.broadcast %get3A_13 : vector<1x128xf32> to vector<256x128xf32>
    %add3A_408 = arith.addf %dot_general3A_406, %add3A_407 : vector<256x128xf32>
    %gt3A_409 = arith.constant 0.000000e+00 : f32
    %gt3A_410 = vector.broadcast %gt3A_409 : f32 to vector<256x128xf32>
    %gt3A_411 = arith.cmpf ogt, %add3A_408, %gt3A_410 : vector<256x128xf32>
    %mul3A_412 = arith.constant 1.000000e-01 : f32
    %mul3A_413 = vector.broadcast %mul3A_412 : f32 to vector<256x128xf32>
    %mul3A_414 = arith.mulf %mul3A_413, %add3A_408 : vector<256x128xf32>
    %select_n3A_415 = arith.select %gt3A_411, %add3A_408, %mul3A_414 : vector<256x128xi1>, vector<256x128xf32>
    %dot_general3A_416 = arith.constant dense<0.000000e+00> : vector<128x256xf32>
    %dot_general3A_417 = tpu.matmul %get3A_10, %select_n3A_415, %dot_general3A_416 {dimension_numbers = #tpu.dot_dimension_numbers<[1], [1], [0], [0], [0, 0, 1, 0], [], []>, transpose_lhs_hint = false} : vector<128x128xf32>, vector<256x128xf32>, vector<128x256xf32> -> vector<128x256xf32>
    %add3A_418 = vector.broadcast %get3A_16 : vector<128x1xf32> to vector<128x256xf32>
    %add3A_419 = arith.addf %dot_general3A_417, %add3A_418 : vector<128x256xf32>
    %gt3A_420 = arith.constant 0.000000e+00 : f32
    %gt3A_421 = vector.broadcast %gt3A_420 : f32 to vector<128x256xf32>
    %gt3A_422 = arith.cmpf ogt, %add3A_419, %gt3A_421 : vector<128x256xf32>
    %mul3A_423 = arith.constant 1.000000e-01 : f32
    %mul3A_424 = vector.broadcast %mul3A_423 : f32 to vector<128x256xf32>
    %mul3A_425 = arith.mulf %mul3A_424, %add3A_419 : vector<128x256xf32>
    %select_n3A_426 = arith.select %gt3A_422, %add3A_419, %mul3A_425 : vector<128x256xi1>, vector<128x256xf32>
    %max3A_427 = arith.maximumf %max3A_389, %select_n3A_426 : vector<128x256xf32>
    %get3A_428 = arith.constant 0 : index
    %get3A_429 = arith.constant 0 : index
    %get3A_430 = arith.constant 11 : index
    %get3A_431 = arith.constant 0 : index
    %get3A_432 = arith.constant 0 : index
    %get3A_433 = vector.load %arg3[%get3A_428, %get3A_429, %get3A_430, %get3A_431, %get3A_432] : memref<1x1x16x256x128xf32, #tpu.memory_space<vmem>>, vector<1x1x1x256x128xf32>
    %get3A_434 = vector.shape_cast %get3A_433 : vector<1x1x1x256x128xf32> to vector<256x128xf32>
    %add3A_435 = arith.addf %get3A_434, %get3A_4 : vector<256x128xf32>
    %gt3A_436 = arith.constant 0.000000e+00 : f32
    %gt3A_437 = vector.broadcast %gt3A_436 : f32 to vector<256x128xf32>
    %gt3A_438 = arith.cmpf ogt, %add3A_435, %gt3A_437 : vector<256x128xf32>
    %mul3A_439 = arith.constant 1.000000e-01 : f32
    %mul3A_440 = vector.broadcast %mul3A_439 : f32 to vector<256x128xf32>
    %mul3A_441 = arith.mulf %mul3A_440, %add3A_435 : vector<256x128xf32>
    %select_n3A_442 = arith.select %gt3A_438, %add3A_435, %mul3A_441 : vector<256x128xi1>, vector<256x128xf32>
    %dot_general3A_443 = arith.constant dense<0.000000e+00> : vector<256x128xf32>
    %dot_general3A_444 = tpu.matmul %select_n3A_442, %get3A_7, %dot_general3A_443 {dimension_numbers = #tpu.dot_dimension_numbers<[1], [1], [0], [0], [0, 0, 1, 0], [], []>, transpose_lhs_hint = false} : vector<256x128xf32>, vector<128x128xf32>, vector<256x128xf32> -> vector<256x128xf32>
    %add3A_445 = vector.broadcast %get3A_13 : vector<1x128xf32> to vector<256x128xf32>
    %add3A_446 = arith.addf %dot_general3A_444, %add3A_445 : vector<256x128xf32>
    %gt3A_447 = arith.constant 0.000000e+00 : f32
    %gt3A_448 = vector.broadcast %gt3A_447 : f32 to vector<256x128xf32>
    %gt3A_449 = arith.cmpf ogt, %add3A_446, %gt3A_448 : vector<256x128xf32>
    %mul3A_450 = arith.constant 1.000000e-01 : f32
    %mul3A_451 = vector.broadcast %mul3A_450 : f32 to vector<256x128xf32>
    %mul3A_452 = arith.mulf %mul3A_451, %add3A_446 : vector<256x128xf32>
    %select_n3A_453 = arith.select %gt3A_449, %add3A_446, %mul3A_452 : vector<256x128xi1>, vector<256x128xf32>
    %dot_general3A_454 = arith.constant dense<0.000000e+00> : vector<128x256xf32>
    %dot_general3A_455 = tpu.matmul %get3A_10, %select_n3A_453, %dot_general3A_454 {dimension_numbers = #tpu.dot_dimension_numbers<[1], [1], [0], [0], [0, 0, 1, 0], [], []>, transpose_lhs_hint = false} : vector<128x128xf32>, vector<256x128xf32>, vector<128x256xf32> -> vector<128x256xf32>
    %add3A_456 = vector.broadcast %get3A_16 : vector<128x1xf32> to vector<128x256xf32>
    %add3A_457 = arith.addf %dot_general3A_455, %add3A_456 : vector<128x256xf32>
    %gt3A_458 = arith.constant 0.000000e+00 : f32
    %gt3A_459 = vector.broadcast %gt3A_458 : f32 to vector<128x256xf32>
    %gt3A_460 = arith.cmpf ogt, %add3A_457, %gt3A_459 : vector<128x256xf32>
    %mul3A_461 = arith.constant 1.000000e-01 : f32
    %mul3A_462 = vector.broadcast %mul3A_461 : f32 to vector<128x256xf32>
    %mul3A_463 = arith.mulf %mul3A_462, %add3A_457 : vector<128x256xf32>
    %select_n3A_464 = arith.select %gt3A_460, %add3A_457, %mul3A_463 : vector<128x256xi1>, vector<128x256xf32>
    %max3A_465 = arith.maximumf %max3A_427, %select_n3A_464 : vector<128x256xf32>
    %get3A_466 = arith.constant 0 : index
    %get3A_467 = arith.constant 0 : index
    %get3A_468 = arith.constant 12 : index
    %get3A_469 = arith.constant 0 : index
    %get3A_470 = arith.constant 0 : index
    %get3A_471 = vector.load %arg3[%get3A_466, %get3A_467, %get3A_468, %get3A_469, %get3A_470] : memref<1x1x16x256x128xf32, #tpu.memory_space<vmem>>, vector<1x1x1x256x128xf32>
    %get3A_472 = vector.shape_cast %get3A_471 : vector<1x1x1x256x128xf32> to vector<256x128xf32>
    %add3A_473 = arith.addf %get3A_472, %get3A_4 : vector<256x128xf32>
    %gt3A_474 = arith.constant 0.000000e+00 : f32
    %gt3A_475 = vector.broadcast %gt3A_474 : f32 to vector<256x128xf32>
    %gt3A_476 = arith.cmpf ogt, %add3A_473, %gt3A_475 : vector<256x128xf32>
    %mul3A_477 = arith.constant 1.000000e-01 : f32
    %mul3A_478 = vector.broadcast %mul3A_477 : f32 to vector<256x128xf32>
    %mul3A_479 = arith.mulf %mul3A_478, %add3A_473 : vector<256x128xf32>
    %select_n3A_480 = arith.select %gt3A_476, %add3A_473, %mul3A_479 : vector<256x128xi1>, vector<256x128xf32>
    %dot_general3A_481 = arith.constant dense<0.000000e+00> : vector<256x128xf32>
    %dot_general3A_482 = tpu.matmul %select_n3A_480, %get3A_7, %dot_general3A_481 {dimension_numbers = #tpu.dot_dimension_numbers<[1], [1], [0], [0], [0, 0, 1, 0], [], []>, transpose_lhs_hint = false} : vector<256x128xf32>, vector<128x128xf32>, vector<256x128xf32> -> vector<256x128xf32>
    %add3A_483 = vector.broadcast %get3A_13 : vector<1x128xf32> to vector<256x128xf32>
    %add3A_484 = arith.addf %dot_general3A_482, %add3A_483 : vector<256x128xf32>
    %gt3A_485 = arith.constant 0.000000e+00 : f32
    %gt3A_486 = vector.broadcast %gt3A_485 : f32 to vector<256x128xf32>
    %gt3A_487 = arith.cmpf ogt, %add3A_484, %gt3A_486 : vector<256x128xf32>
    %mul3A_488 = arith.constant 1.000000e-01 : f32
    %mul3A_489 = vector.broadcast %mul3A_488 : f32 to vector<256x128xf32>
    %mul3A_490 = arith.mulf %mul3A_489, %add3A_484 : vector<256x128xf32>
    %select_n3A_491 = arith.select %gt3A_487, %add3A_484, %mul3A_490 : vector<256x128xi1>, vector<256x128xf32>
    %dot_general3A_492 = arith.constant dense<0.000000e+00> : vector<128x256xf32>
    %dot_general3A_493 = tpu.matmul %get3A_10, %select_n3A_491, %dot_general3A_492 {dimension_numbers = #tpu.dot_dimension_numbers<[1], [1], [0], [0], [0, 0, 1, 0], [], []>, transpose_lhs_hint = false} : vector<128x128xf32>, vector<256x128xf32>, vector<128x256xf32> -> vector<128x256xf32>
    %add3A_494 = vector.broadcast %get3A_16 : vector<128x1xf32> to vector<128x256xf32>
    %add3A_495 = arith.addf %dot_general3A_493, %add3A_494 : vector<128x256xf32>
    %gt3A_496 = arith.constant 0.000000e+00 : f32
    %gt3A_497 = vector.broadcast %gt3A_496 : f32 to vector<128x256xf32>
    %gt3A_498 = arith.cmpf ogt, %add3A_495, %gt3A_497 : vector<128x256xf32>
    %mul3A_499 = arith.constant 1.000000e-01 : f32
    %mul3A_500 = vector.broadcast %mul3A_499 : f32 to vector<128x256xf32>
    %mul3A_501 = arith.mulf %mul3A_500, %add3A_495 : vector<128x256xf32>
    %select_n3A_502 = arith.select %gt3A_498, %add3A_495, %mul3A_501 : vector<128x256xi1>, vector<128x256xf32>
    %max3A_503 = arith.maximumf %max3A_465, %select_n3A_502 : vector<128x256xf32>
    %get3A_504 = arith.constant 0 : index
    %get3A_505 = arith.constant 0 : index
    %get3A_506 = arith.constant 13 : index
    %get3A_507 = arith.constant 0 : index
    %get3A_508 = arith.constant 0 : index
    %get3A_509 = vector.load %arg3[%get3A_504, %get3A_505, %get3A_506, %get3A_507, %get3A_508] : memref<1x1x16x256x128xf32, #tpu.memory_space<vmem>>, vector<1x1x1x256x128xf32>
    %get3A_510 = vector.shape_cast %get3A_509 : vector<1x1x1x256x128xf32> to vector<256x128xf32>
    %add3A_511 = arith.addf %get3A_510, %get3A_4 : vector<256x128xf32>
    %gt3A_512 = arith.constant 0.000000e+00 : f32
    %gt3A_513 = vector.broadcast %gt3A_512 : f32 to vector<256x128xf32>
    %gt3A_514 = arith.cmpf ogt, %add3A_511, %gt3A_513 : vector<256x128xf32>
    %mul3A_515 = arith.constant 1.000000e-01 : f32
    %mul3A_516 = vector.broadcast %mul3A_515 : f32 to vector<256x128xf32>
    %mul3A_517 = arith.mulf %mul3A_516, %add3A_511 : vector<256x128xf32>
    %select_n3A_518 = arith.select %gt3A_514, %add3A_511, %mul3A_517 : vector<256x128xi1>, vector<256x128xf32>
    %dot_general3A_519 = arith.constant dense<0.000000e+00> : vector<256x128xf32>
    %dot_general3A_520 = tpu.matmul %select_n3A_518, %get3A_7, %dot_general3A_519 {dimension_numbers = #tpu.dot_dimension_numbers<[1], [1], [0], [0], [0, 0, 1, 0], [], []>, transpose_lhs_hint = false} : vector<256x128xf32>, vector<128x128xf32>, vector<256x128xf32> -> vector<256x128xf32>
    %add3A_521 = vector.broadcast %get3A_13 : vector<1x128xf32> to vector<256x128xf32>
    %add3A_522 = arith.addf %dot_general3A_520, %add3A_521 : vector<256x128xf32>
    %gt3A_523 = arith.constant 0.000000e+00 : f32
    %gt3A_524 = vector.broadcast %gt3A_523 : f32 to vector<256x128xf32>
    %gt3A_525 = arith.cmpf ogt, %add3A_522, %gt3A_524 : vector<256x128xf32>
    %mul3A_526 = arith.constant 1.000000e-01 : f32
    %mul3A_527 = vector.broadcast %mul3A_526 : f32 to vector<256x128xf32>
    %mul3A_528 = arith.mulf %mul3A_527, %add3A_522 : vector<256x128xf32>
    %select_n3A_529 = arith.select %gt3A_525, %add3A_522, %mul3A_528 : vector<256x128xi1>, vector<256x128xf32>
    %dot_general3A_530 = arith.constant dense<0.000000e+00> : vector<128x256xf32>
    %dot_general3A_531 = tpu.matmul %get3A_10, %select_n3A_529, %dot_general3A_530 {dimension_numbers = #tpu.dot_dimension_numbers<[1], [1], [0], [0], [0, 0, 1, 0], [], []>, transpose_lhs_hint = false} : vector<128x128xf32>, vector<256x128xf32>, vector<128x256xf32> -> vector<128x256xf32>
    %add3A_532 = vector.broadcast %get3A_16 : vector<128x1xf32> to vector<128x256xf32>
    %add3A_533 = arith.addf %dot_general3A_531, %add3A_532 : vector<128x256xf32>
    %gt3A_534 = arith.constant 0.000000e+00 : f32
    %gt3A_535 = vector.broadcast %gt3A_534 : f32 to vector<128x256xf32>
    %gt3A_536 = arith.cmpf ogt, %add3A_533, %gt3A_535 : vector<128x256xf32>
    %mul3A_537 = arith.constant 1.000000e-01 : f32
    %mul3A_538 = vector.broadcast %mul3A_537 : f32 to vector<128x256xf32>
    %mul3A_539 = arith.mulf %mul3A_538, %add3A_533 : vector<128x256xf32>
    %select_n3A_540 = arith.select %gt3A_536, %add3A_533, %mul3A_539 : vector<128x256xi1>, vector<128x256xf32>
    %max3A_541 = arith.maximumf %max3A_503, %select_n3A_540 : vector<128x256xf32>
    %get3A_542 = arith.constant 0 : index
    %get3A_543 = arith.constant 0 : index
    %get3A_544 = arith.constant 14 : index
    %get3A_545 = arith.constant 0 : index
    %get3A_546 = arith.constant 0 : index
    %get3A_547 = vector.load %arg3[%get3A_542, %get3A_543, %get3A_544, %get3A_545, %get3A_546] : memref<1x1x16x256x128xf32, #tpu.memory_space<vmem>>, vector<1x1x1x256x128xf32>
    %get3A_548 = vector.shape_cast %get3A_547 : vector<1x1x1x256x128xf32> to vector<256x128xf32>
    %add3A_549 = arith.addf %get3A_548, %get3A_4 : vector<256x128xf32>
    %gt3A_550 = arith.constant 0.000000e+00 : f32
    %gt3A_551 = vector.broadcast %gt3A_550 : f32 to vector<256x128xf32>
    %gt3A_552 = arith.cmpf ogt, %add3A_549, %gt3A_551 : vector<256x128xf32>
    %mul3A_553 = arith.constant 1.000000e-01 : f32
    %mul3A_554 = vector.broadcast %mul3A_553 : f32 to vector<256x128xf32>
    %mul3A_555 = arith.mulf %mul3A_554, %add3A_549 : vector<256x128xf32>
    %select_n3A_556 = arith.select %gt3A_552, %add3A_549, %mul3A_555 : vector<256x128xi1>, vector<256x128xf32>
    %dot_general3A_557 = arith.constant dense<0.000000e+00> : vector<256x128xf32>
    %dot_general3A_558 = tpu.matmul %select_n3A_556, %get3A_7, %dot_general3A_557 {dimension_numbers = #tpu.dot_dimension_numbers<[1], [1], [0], [0], [0, 0, 1, 0], [], []>, transpose_lhs_hint = false} : vector<256x128xf32>, vector<128x128xf32>, vector<256x128xf32> -> vector<256x128xf32>
    %add3A_559 = vector.broadcast %get3A_13 : vector<1x128xf32> to vector<256x128xf32>
    %add3A_560 = arith.addf %dot_general3A_558, %add3A_559 : vector<256x128xf32>
    %gt3A_561 = arith.constant 0.000000e+00 : f32
    %gt3A_562 = vector.broadcast %gt3A_561 : f32 to vector<256x128xf32>
    %gt3A_563 = arith.cmpf ogt, %add3A_560, %gt3A_562 : vector<256x128xf32>
    %mul3A_564 = arith.constant 1.000000e-01 : f32
    %mul3A_565 = vector.broadcast %mul3A_564 : f32 to vector<256x128xf32>
    %mul3A_566 = arith.mulf %mul3A_565, %add3A_560 : vector<256x128xf32>
    %select_n3A_567 = arith.select %gt3A_563, %add3A_560, %mul3A_566 : vector<256x128xi1>, vector<256x128xf32>
    %dot_general3A_568 = arith.constant dense<0.000000e+00> : vector<128x256xf32>
    %dot_general3A_569 = tpu.matmul %get3A_10, %select_n3A_567, %dot_general3A_568 {dimension_numbers = #tpu.dot_dimension_numbers<[1], [1], [0], [0], [0, 0, 1, 0], [], []>, transpose_lhs_hint = false} : vector<128x128xf32>, vector<256x128xf32>, vector<128x256xf32> -> vector<128x256xf32>
    %add3A_570 = vector.broadcast %get3A_16 : vector<128x1xf32> to vector<128x256xf32>
    %add3A_571 = arith.addf %dot_general3A_569, %add3A_570 : vector<128x256xf32>
    %gt3A_572 = arith.constant 0.000000e+00 : f32
    %gt3A_573 = vector.broadcast %gt3A_572 : f32 to vector<128x256xf32>
    %gt3A_574 = arith.cmpf ogt, %add3A_571, %gt3A_573 : vector<128x256xf32>
    %mul3A_575 = arith.constant 1.000000e-01 : f32
    %mul3A_576 = vector.broadcast %mul3A_575 : f32 to vector<128x256xf32>
    %mul3A_577 = arith.mulf %mul3A_576, %add3A_571 : vector<128x256xf32>
    %select_n3A_578 = arith.select %gt3A_574, %add3A_571, %mul3A_577 : vector<128x256xi1>, vector<128x256xf32>
    %max3A_579 = arith.maximumf %max3A_541, %select_n3A_578 : vector<128x256xf32>
    %get3A_580 = arith.constant 0 : index
    %get3A_581 = arith.constant 0 : index
    %get3A_582 = arith.constant 15 : index
    %get3A_583 = arith.constant 0 : index
    %get3A_584 = arith.constant 0 : index
    %get3A_585 = vector.load %arg3[%get3A_580, %get3A_581, %get3A_582, %get3A_583, %get3A_584] : memref<1x1x16x256x128xf32, #tpu.memory_space<vmem>>, vector<1x1x1x256x128xf32>
    %get3A_586 = vector.shape_cast %get3A_585 : vector<1x1x1x256x128xf32> to vector<256x128xf32>
    %add3A_587 = arith.addf %get3A_586, %get3A_4 : vector<256x128xf32>
    %gt3A_588 = arith.constant 0.000000e+00 : f32
    %gt3A_589 = vector.broadcast %gt3A_588 : f32 to vector<256x128xf32>
    %gt3A_590 = arith.cmpf ogt, %add3A_587, %gt3A_589 : vector<256x128xf32>
    %mul3A_591 = arith.constant 1.000000e-01 : f32
    %mul3A_592 = vector.broadcast %mul3A_591 : f32 to vector<256x128xf32>
    %mul3A_593 = arith.mulf %mul3A_592, %add3A_587 : vector<256x128xf32>
    %select_n3A_594 = arith.select %gt3A_590, %add3A_587, %mul3A_593 : vector<256x128xi1>, vector<256x128xf32>
    %dot_general3A_595 = arith.constant dense<0.000000e+00> : vector<256x128xf32>
    %dot_general3A_596 = tpu.matmul %select_n3A_594, %get3A_7, %dot_general3A_595 {dimension_numbers = #tpu.dot_dimension_numbers<[1], [1], [0], [0], [0, 0, 1, 0], [], []>, transpose_lhs_hint = false} : vector<256x128xf32>, vector<128x128xf32>, vector<256x128xf32> -> vector<256x128xf32>
    %add3A_597 = vector.broadcast %get3A_13 : vector<1x128xf32> to vector<256x128xf32>
    %add3A_598 = arith.addf %dot_general3A_596, %add3A_597 : vector<256x128xf32>
    %gt3A_599 = arith.constant 0.000000e+00 : f32
    %gt3A_600 = vector.broadcast %gt3A_599 : f32 to vector<256x128xf32>
    %gt3A_601 = arith.cmpf ogt, %add3A_598, %gt3A_600 : vector<256x128xf32>
    %mul3A_602 = arith.constant 1.000000e-01 : f32
    %mul3A_603 = vector.broadcast %mul3A_602 : f32 to vector<256x128xf32>
    %mul3A_604 = arith.mulf %mul3A_603, %add3A_598 : vector<256x128xf32>
    %select_n3A_605 = arith.select %gt3A_601, %add3A_598, %mul3A_604 : vector<256x128xi1>, vector<256x128xf32>
    %dot_general3A_606 = arith.constant dense<0.000000e+00> : vector<128x256xf32>
    %dot_general3A_607 = tpu.matmul %get3A_10, %select_n3A_605, %dot_general3A_606 {dimension_numbers = #tpu.dot_dimension_numbers<[1], [1], [0], [0], [0, 0, 1, 0], [], []>, transpose_lhs_hint = false} : vector<128x128xf32>, vector<256x128xf32>, vector<128x256xf32> -> vector<128x256xf32>
    %add3A_608 = vector.broadcast %get3A_16 : vector<128x1xf32> to vector<128x256xf32>
    %add3A_609 = arith.addf %dot_general3A_607, %add3A_608 : vector<128x256xf32>
    %gt3A_610 = arith.constant 0.000000e+00 : f32
    %gt3A_611 = vector.broadcast %gt3A_610 : f32 to vector<128x256xf32>
    %gt3A_612 = arith.cmpf ogt, %add3A_609, %gt3A_611 : vector<128x256xf32>
    %mul3A_613 = arith.constant 1.000000e-01 : f32
    %mul3A_614 = vector.broadcast %mul3A_613 : f32 to vector<128x256xf32>
    %mul3A_615 = arith.mulf %mul3A_614, %add3A_609 : vector<128x256xf32>
    %select_n3A_616 = arith.select %gt3A_612, %add3A_609, %mul3A_615 : vector<128x256xi1>, vector<128x256xf32>
    %max3A_617 = arith.maximumf %max3A_579, %select_n3A_616 : vector<128x256xf32>
    %swap3A = arith.constant 0 : index
    %swap3A_618 = arith.constant 0 : index
    %swap3A_619 = arith.constant 0 : index
    %swap3A_620 = arith.constant 0 : index
    %swap3A_621 = vector.load %arg9[%swap3A, %swap3A_618, %swap3A_619, %swap3A_620] : memref<1x1x128x256xf32, #tpu.memory_space<vmem>>, vector<1x1x128x256xf32>
    %swap3A_622 = vector.shape_cast %swap3A_621 : vector<1x1x128x256xf32> to vector<128x256xf32>
    %swap3A_623 = vector.shape_cast %max3A_617 : vector<128x256xf32> to vector<1x1x128x256xf32>
    tpu.vector_store %arg9[%swap3A, %swap3A_618, %swap3A_619, %swap3A_620], %swap3A_623 {strides = array<i32>} : memref<1x1x128x256xf32, #tpu.memory_space<vmem>>, vector<1x1x128x256xf32>,
    return
  }
  func.func @transform_0(%arg0: i32, %arg1: i32, %arg2: i32) -> (i32, i32, i32, i32, i32) {
    %c0_i32 = arith.constant 0 : i32
    %c0_i32_0 = arith.constant 0 : i32
    %c0_i32_1 = arith.constant 0 : i32
    return %arg0, %arg1, %c0_i32, %arg2, %c0_i32_0 : i32, i32, i32, i32, i32
  }
  func.func @transform_1(%arg0: i32, %arg1: i32, %arg2: i32) -> (i32, i32, i32, i32) {
    %c0_i32 = arith.constant 0 : i32
    %c0_i32_0 = arith.constant 0 : i32
    return %arg0, %arg1, %arg2, %c0_i32 : i32, i32, i32, i32
  }
  func.func @transform_2(%arg0: i32, %arg1: i32, %arg2: i32) -> (i32, i32) {
    %c0_i32 = arith.constant 0 : i32
    %c0_i32_0 = arith.constant 0 : i32
    %c0_i32_1 = arith.constant 0 : i32
    return %c0_i32, %c0_i32_0 : i32, i32
  }
  func.func @transform_3(%arg0: i32, %arg1: i32, %arg2: i32) -> (i32, i32) {
    %c0_i32 = arith.constant 0 : i32
    %c0_i32_0 = arith.constant 0 : i32
    %c0_i32_1 = arith.constant 0 : i32
    return %c0_i32, %c0_i32_0 : i32, i32
  }
  func.func @transform_4(%arg0: i32, %arg1: i32, %arg2: i32) -> (i32, i32) {
    %c0_i32 = arith.constant 0 : i32
    %c0_i32_0 = arith.constant 0 : i32
    %c0_i32_1 = arith.constant 0 : i32
    return %c0_i32, %c0_i32_0 : i32, i32
  }
  func.func @transform_5(%arg0: i32, %arg1: i32, %arg2: i32) -> (i32, i32) {
    %c0_i32 = arith.constant 0 : i32
    %c0_i32_0 = arith.constant 0 : i32
    %c0_i32_1 = arith.constant 0 : i32
    return %c0_i32, %c0_i32_0 : i32, i32
  }
  func.func @transform_6(%arg0: i32, %arg1: i32, %arg2: i32) -> (i32, i32, i32, i32) {
    %c0_i32 = arith.constant 0 : i32
    %c0_i32_0 = arith.constant 0 : i32
    return %arg0, %arg1, %c0_i32, %arg2 : i32, i32, i32, i32
  }
}

</mosaic_0001>

<sc_bundles>
// kernel: kernel.7.cloned.1.call-start
scs
__scs_entry_jumppad:
0x0: {  	(pc) =	sbr.rel $0x88, $3  }
0x1: {  	(tag) =	ssettag $0x0;
	lr =	simm.s32 $0x1  }
0x2: {  	[smem:$0x3F91] =	sst lr;
	_ =	strace $0xD0000000  }
0x3: {  	_ = 	snop  }
0x4: {  	_ = 	snop  }
0x5: {  	_ = 	snop  }
0x6: {  	_ = 	snop  }
0x7: {  	_ = 	snop  }
__scs_overlays_trampoline_lowered:
0x8: {  	[smem:$0x3FA0] =	sst s0  }
0x9: {  	[smem:$0x3FA1] =	sst s1  }
0xa: {  	[smem:$0x3FA2] =	sst s2  }
0xb: {  	[smem:$0x3FA3] =	sst s3  }
0xc: {  	[smem:$0x3FA4] =	sst s4  }
0xd: {  	[smem:$0x3FA5] =	sst s5  }
0xe: {  	[smem:$0x3FA6] =	sst s6  }
0xf: {  	[smem:$0x3FA7] =	sst s7  }
0x10: {  	[smem:$0x3FA8] =	sst s8  }
0x11: {  	[smem:$0x3FA9] =	sst s9;
	s0 =	simm.s32 @!p0 $0x0  }
0x12: {  	s1 =	sld [smem:$0x3F8F];
	s0 =	simm.s32 @p0 $0x1  }
0x13: {  	[smem:$0x3FAA] =	sst s0;
	s0 =	simm.s32 @!p1 $0x0  }
0x14: {  	s2 =	sld [smem:$0x3F8E];
	s0 =	simm.s32 @p1 $0x1  }
0x15: {  	[smem:$0x3FAB] =	sst s0;
	s0 =	simm.s32 @!p2 $0x0  }
0x16: {  	s3 =	sld [smem:$0x3FDB];
	s0 =	simm.s32 @p2 $0x1  }
0x17: {  	s4 =	simm.s32 $0x1BF5;
	[smem:$0x3FAD] =	sst s0  }
0x18: {  	s0 =	sld [smem:$0x3F90];
	_ =	swait.ge [sflag:s4], $0x0  }
0x19: {  	s7 =	sld [smem:$0x3F91]  }
0x1a: {  	s8 =	sadd.s32 $0xFFFFE003, lr  }
0x1b: {  	s9 =	sadd.s32 $0xFFFFFEF7, lr;
	s5 =	simm.s32 $0xFFFFFFFF;
	p2 =	slt.u32 s8, $0xFFFFF086  }
0x1c: {  	p1 =	slt.u32 s9, $0xF7A;
	s5 =	simm.s32 @!p2 $0x0  }
0x1d: {  	s5 =	simm.s32 @p1 $0x1;
	p0 =	seq.s32 s7, s2  }
0x1e: {  	s7 =	smul.u32 @!p0 $0xF7A, s2;
	p2 =	seq.s32 @!p0 s5, $0x0  }
0x1f: {  	s9 =	smul.u32 $0xF7A, s1;
	s8 =	simm.s32 @!p0 $0x1BF5;
	p2 =	por !p2, p0  }
0x20: {  	[sflag:s8] =	ssyncset.s32 @!p0 $0xFFFFF086;
	s6 =	sadd.s32 @!p0 s3, s7;
	s7 =	simm.s32 @!p0 $0x108  }
0x21: {  	s3 =	sadd.s32 s3, s9;
	s6 =	sadd.s32 @!p0 $0x88, s6;
	s7 =	simm.s32 @p2 $0x1082  }
0x22: {  	[simem:s7], [sflag:s8] =	dma.local @!p0 [hbm:s6], $0xF7A  }
0x23: {  	s9 =	sor.u32 $0xD0000000, s2;
	s6 =	simm.s32 $0x108;
	_ =	swait.ge @!p0 [sflag:s8], $0x0  }
0x24: {  	s3 =	sadd.s32 $0x88, s3;
	s6 =	simm.s32 @!p1 $0x1082;
	[sflag:s4] =	ssyncset.s32 $0xFFFFF086  }
0x25: {  	[simem:s6], [sflag:s4] =	dma.local [hbm:s3], $0xF7A  }
0x26: {  	[smem:$0x3F91] =	sst s1;
	(tag) =	ssettag s2;
	_ =	strace s9  }
0x27: {  	s1 =	sld [smem:$0x3FA1]  }
0x28: {  	s2 =	sld [smem:$0x3FA2]  }
0x29: {  	s4 =	sld [smem:$0x3FA4]  }
0x2a: {  	p0 =	seq.s32 s5, $0x0;
	s5 =	sld [smem:$0x3FA5]  }
0x2b: {  	s6 =	sld [smem:$0x3FA6]  }
0x2c: {  	s7 =	sld [smem:$0x3FA7]  }
0x2d: {  	s3 =	simm.s32 $0x108;
	s8 =	sld [smem:$0x3FA8]  }
0x2e: {  	s3 =	simm.s32 @!p0 $0x1082;
	s9 =	sld [smem:$0x3FA9]  }
0x2f: {  	lr =	sadd.s32 s0, s3;
	s0 =	sld [smem:$0x3FA0]  }
0x30: {  	s3 =	sld [smem:$0x3FA3]  }
0x31: {  	[smem:$0x3FAC] =	sst s10  }
0x32: {  	s10 =	sld [smem:$0x3FAA];
	_ =	sdelay $0x3  }
0x33: {  	p0 =	seq.s32 s10, $0x1;
	s10 =	sld [smem:$0x3FAC];
	_ =	sdelay $0x3  }
0x34: {  	[smem:$0x3FAC] =	sst s10  }
0x35: {  	s10 =	sld [smem:$0x3FAB];
	_ =	sdelay $0x3  }
0x36: {  	p1 =	seq.s32 s10, $0x1;
	s10 =	sld [smem:$0x3FAC];
	_ =	sdelay $0x3  }
0x37: {  	[smem:$0x3FAC] =	sst s10  }
0x38: {  	s10 =	sld [smem:$0x3FAD]  }
0x39: {  	_ = 	snop;
	(pc) =	sbr.ind lr, $3  }
0x3a: {  	_ = 	snop  }
0x3b: {  	_ = 	snop  }
0x3c: {  	p2 =	seq.s32 s10, $0x1;
	s10 =	sld [smem:$0x3FAC]  }
0x3d: {  	_ =	shalt  }
0x3e: {  	_ =	shalt  }
0x3f: {  	_ =	shalt  }
0x40: {  	_ =	shalt  }
0x41: {  	_ =	shalt  }
0x42: {  	_ =	shalt  }
0x43: {  	_ =	shalt  }
0x44: {  	_ =	shalt  }
0x45: {  	_ =	shalt  }
0x46: {  	_ =	shalt  }
0x47: {  	_ =	shalt  }
0x48: {  	_ =	shalt  }
0x49: {  	_ =	shalt  }
0x4a: {  	_ =	shalt  }
0x4b: {  	_ =	shalt  }
0x4c: {  	_ =	shalt  }
0x4d: {  	_ =	shalt  }
0x4e: {  	_ =	shalt  }
0x4f: {  	_ =	shalt  }
0x50: {  	_ =	shalt  }
0x51: {  	_ =	shalt  }
0x52: {  	_ =	shalt  }
0x53: {  	_ =	shalt  }
0x54: {  	_ =	shalt  }
0x55: {  	_ =	shalt  }
0x56: {  	_ =	shalt  }
0x57: {  	_ =	shalt  }
0x58: {  	_ =	shalt  }
0x59: {  	_ =	shalt  }
0x5a: {  	_ =	shalt  }
0x5b: {  	_ =	shalt  }
0x5c: {  	_ =	shalt  }
0x5d: {  	_ =	shalt  }
0x5e: {  	_ =	shalt  }
0x5f: {  	_ =	shalt  }
0x60: {  	_ =	shalt  }
0x61: {  	_ =	shalt  }
0x62: {  	_ =	shalt  }
0x63: {  	_ =	shalt  }
0x64: {  	_ =	shalt  }
0x65: {  	_ =	shalt  }
0x66: {  	_ =	shalt  }
0x67: {  	_ =	shalt  }
0x68: {  	_ =	shalt  }
0x69: {  	_ =	shalt  }
0x6a: {  	_ =	shalt  }
0x6b: {  	_ =	shalt  }
0x6c: {  	_ =	shalt  }
0x6d: {  	_ =	shalt  }
0x6e: {  	_ =	shalt  }
0x6f: {  	_ =	shalt  }
0x70: {  	_ =	shalt  }
0x71: {  	_ =	shalt  }
0x72: {  	_ =	shalt  }
0x73: {  	_ =	shalt  }
0x74: {  	_ =	shalt  }
0x75: {  	_ =	shalt  }
0x76: {  	_ =	shalt  }
0x77: {  	_ =	shalt  }
0x78: {  	_ =	shalt  }
0x79: {  	_ =	shalt  }
0x7a: {  	_ =	shalt  }
0x7b: {  	_ =	shalt  }
0x7c: {  	_ =	shalt  }
0x7d: {  	_ =	shalt  }
0x7e: {  	_ =	shalt  }
0x7f: {  	_ =	shalt  }
0x80: {  	_ =	shalt  }
0x81: {  	_ =	shalt  }
0x82: {  	_ =	shalt  }
0x83: {  	_ =	shalt  }
0x84: {  	_ =	shalt  }
0x85: {  	_ =	shalt  }
0x86: {  	_ =	shalt  }
0x87: {  	_ =	shalt  }
.Lfunc_end0:
.L_simem_size_0:
called_computation_lowered:
.L_overlay_start_0:
0x88: {  	s2 =	sld [smem:$0x3FD9]  }
0x89: {  	s3 =	sld [smem:$0x3FFE];
	_ =	sdelay $0x1  }
0x8a: {  	s1 =	srdreg.scid  }
0x8b: {  	s0 =	sand.u32 $0x1, s1  }
0x8c: {  	s14 =	sshll.u32 s0, $0xA;
	s2 =	sadd.s32 s3, s2  }
0x8d: {  	s2 =	sadd.s32 s2, s14  }
0x8e: {  	[smem:$0x3FB8] =	sst s2  }
0x8f: {  	_ = 	snop  }
0x90: {  	s2 =	sld [smem:$0x3FD0];
	_ =	sdelay $0x2  }
0x91: {  	s15 =	simm.s32 $0xA;
	s4 =	simm.s32 $0x10  }
0x92: {  	[smem:s4], [sflag:s15] =	dma.local [hbm:s2], $0x1  }
0x93: {  	_ =	swait.eq [sflag:s15], $0x1  }
0x94: {  	[sflag:s15] =	ssyncset.done $0x0  }
0x95: {  	[sflag:s15] =	ssyncadd.s32 $0xFFFFFFFF  }
0x96: {  	s16 =	sld [smem:$0x11];
	(tm) =	ssettm $0x1  }
0x97: {  	s17 =	sld [smem:$0x3FFB];
	_ =	sdelay $0x3  }
0x98: {  	_ =	strace s17  }
0x99: {  	s3 =	sld [smem:$0x3FFC];
	_ =	sdelay $0x3  }
0x9a: {  	_ =	strace s3  }
0x9b: {  	s3 =	sld [smem:$0x3FFD];
	_ =	sdelay $0x3  }
0x9c: {  	_ =	strace s3  }
0x9d: {  	_ =	strace $0x8FFFFFFF  }
0x9e: {  	s18 =	sld [smem:$0x3FDB];
	_ =	sdelay $0x1  }
0x9f: {  	s19 =	simm.s32 $_scs_section_size  }
0xa0: {  	s5 =	simm.s32 $_size__tile_overlayer_lowered;
	s6 =	simm.s32 $_tile_overlayer_lowered  }
0xa1: {  	s22 =	simm.s32 $0x1BFF;
	s21 =	sshll.u32 s6, $0x1;
	s3 =	sadd.s32 s19, s18  }
0xa2: {  	s7 =	simm.s32 $0x0;
	s20 =	sshll.u32 s5, $0x1;
	s5 =	sadd.s32 s21, s3  }
0xa3: {  	[timem:s7], [sflag:s22] =	dma.local [hbm:s5], s20  }
0xa4: {  	_ =	swait.ge [sflag:s22], s20  }
0xa5: {  	s4 =	ssub.s32 $0x0, s20;
	[sflag:s22] =	ssyncset.done $0x0  }
0xa6: {  	[sflag:s22] =	ssyncadd.s32 s4;
	_ =	sdelay $0x1  }
0xa7: {  	s23 =	simm.s32 $0x1B8B  }
0xa8: {  	_ =	swait.ge [sflag:s23], $0x1  }
0xa9: {  	[sflag:s23] =	ssyncset.done $0x0  }
0xaa: {  	s25 =	simm.s32 $0x1B8E;
	s24 =	sld [smem:$0x3FFE];
	[sflag:s23] =	ssyncadd.s32 $0xFFFFFFFF  }
0xab: {  	s26 =	simm.s32 $execute0_lowered;
	[smem:$0x3FD2] =	sst s25  }
0xac: {  	s5 =	sshll.u32 s26, $0x1;
	_ =	strace $0x80000046;
	[dreg:$0x1] =	wrdreg $0xFFFFFFFF  }
0xad: {  	s28 =	simm.s32 $_size_execute0_lowered;
	s3 =	sadd.s32 s3, s5;
	[dreg:$0x0] =	wrdreg $0x0  }
0xae: {  	s5 =	sshll.u32 s28, $0x1;
	[dreg:$0x2] =	wrdreg s3  }
0xaf: {  	[dreg:$0x3] =	wrdreg s5  }
0xb0: {  	[dreg:$0x4] =	wrdreg $0xC0  }
0xb1: {  	_ =	task [dreg:s7], $0x5FFFF  }
0xb2: {  	[dreg:$0x1] =	wrdreg $0xFFFFFFFF  }
0xb3: {  	[dreg:$0x0] =	wrdreg $0x60  }
0xb4: {  	[dreg:$0x2] =	wrdreg s24  }
0xb5: {  	[dreg:$0x3] =	wrdreg s16  }
0xb6: {  	[dreg:$0x4] =	wrdreg $0x9  }
0xb7: {  	_ =	task.clear_ibuf [dreg:s7], $0x5FFFF;
	_ =	strace $0x90000046  }
0xb8: {  	s29 =	simm.s32 $0x9;
	_ =	strace $0x80000048  }
0xb9: {  	_ =	swait.ge [sflag:s29], $0x1  }
0xba: {  	[sflag:s29] =	ssyncadd.s32 $0xFFFFFFFF  }
0xbb: {  	_ =	strace $0x90000048  }
0xbc: {  	_ =	sfence  }
0xbd: {  	s30 =	sld [smem:$0x0];
	_ =	sdelay $0x2  }
0xbe: {  	s31 =	sshll.u32 s1, $0xD;
	s1 =	sshrl.u32 s1, $0x2  }
0xbf: {  	s3 =	sand.u32 $0x4000, s31;
	s1 =	sadd.s32 s1, s30  }
0xc0: {  	s0 =	sor.u32 s3, s0;
	s1 =	sshll.u32 s1, $0x11  }
0xc1: {  	s0 =	sor.u32 s1, s0  }
0xc2: {  	s0 =	sadd.s32 $0x8F2B, s0  }
0xc3: {  	[sflag:s0] =	ssyncadd.remote.s32 $0x1  }
0xc4: {  	_ =	sfence.sel $0xFFFF  }
0xc5: {  	[dreg:$0x0] =	wrdreg $0xFFFFFFFF;
	(pc) =	sbr.abs _section_cstart, $3  }
0xc6: {  	[dreg:$0x1] =	wrdreg $0xFFFFFFFF  }
0xc7: {  	_ =	task.clear_ibuf [dreg:s7], $0x2FFFF;
	_ =	strace $0x9FFFFFFF  }
0xc8: {  	(tm) =	ssettm $0x7FFFFFFF  }
0xc9: {  	_ =	shalt  }
tec
execute0_lowered:
.L_overlay_start_1:
0x0: {  	(tag) =	ssettag $0x1  }
0x1: {  	s4 =	rddreg [dreg:$0x0]  }
0x2: {  	s5 =	rddreg [dreg:$0x1]  }
0x3: {  	s0 =	rddreg [dreg:$0x2]  }
0x4: {  	s2 =	simm.s32 $0x0;
	s3 =	srdreg.scid;
	s1 =	stileid.u32  }
0x5: {  	s12 =	simm.s32 $0x100;
	s13 =	simm.s32 $0xA000;
	s14 =	simm.s32 $0x2  }
0x6: {  	s15 =	simm.s32 $0x1F00;
	s16 =	simm.s32 $0x0;
	[smem:$0x7FF] =	sst s2  }
0x7: {  	s8 =	sand.u32 $0x1, s3;
	s3 =	sadd.s32 $0x3600, s4;
	s6 =	sshll.u32 s1, $0xE  }
0x8: {  	s9 =	sadd.s32 $0x83600, s4;
	s11 =	sshll.u32 s1, $0x12;
	s7 =	sshll.u32 s8, $0xD  }
0x9: {  	_ =	strace $0x80000047;
	s29 =	ssub.s32 $0x2, s8;
	s6 =	sor.u32 s7, s6  }
0xa: {  	s8 =	sshll.u32 s8, $0x11;
	s30 =	sshrl.u32 s29, $0x1;
	s10 =	sshrl.u32 s6, $0x3  }
0xb: {  	s6 =	sshll.u32 s6, $0x4;
	s7 =	ssub.s32 s29, s30;
	s4 =	sadd.s32 s5, s10  }
0xc: {  	s31 =	sadd.s32 s9, s6;
	s5 =	smax.u32 s7, $0x1;
	s9 =	sadd.s32 s11, s9  }
0xd: {  	s10 =	simm.s32 $0x2000;
	s11 =	simm.s32 $0x1;
	s6 =	sadd.s32 $0x1E000, s31  }
0xe: {  	s7 =	sadd.s32 $0x1F000, s31;
	s8 =	sadd.s32 s8, s9;
	s9 =	simm.s32 $0x3  }
.LBB2_1:
0xf: {  	[tilespmem:s2], [sflag:$0x3] =	stream.linear.gather [hbm4b:s4+s2], $0x2000, $0x38;
	[tilespmem:$0x12000] =	vst v63  }
0x10: {  	_ =	swait.ge [sflag:s9], $0x2000  }
0x11: {  	[sflag:s9] =	ssyncset.done $0x0  }
0x12: {  	[sflag:s9] =	ssyncadd.s32 $0xFFFFE000  }
0x13: {  	[tilespmem:s10], [sflag:$0x1] =	stream.indirect.gather [hbm4b:s3+s12], $0x80, s2, s12, $0xb8;
	[tilespmem:$0x12000] =	vst v63  }
0x14: {  	_ =	swait.ge [sflag:s11], $0x8000  }
0x15: {  	[sflag:s11] =	ssyncset.done $0x0  }
0x16: {  	[sflag:s11] =	ssyncadd.s32 $0xFFFF8000  }
0x17: {  	[tilespmem:s13], [sflag:$0x2] =	stream.indirect.gather [hbm4b:s3+s12], $0x80, s12, s12, $0xb8;
	[tilespmem:$0x12000] =	vst v63  }
0x18: {  	s17 =	sadd.s32 $0x0, s8  }
0x19: {  	[hbm4b:s17+s2] =	stream.linear.scatter [tilespmem:s10], [sflag:$0x3], $0x8000, $0x38;
	[tilespmem:$0x12000] =	vst v63  }
0x1a: {  	_ =	swait.ge [sflag:s9], $0x8000  }
0x1b: {  	[sflag:s9] =	ssyncset.done $0x0  }
0x1c: {  	[sflag:s9] =	ssyncadd.s32 $0xFFFF8000  }
0x1d: {  	_ =	swait.ge [sflag:s14], $0x8000  }
0x1e: {  	[sflag:s14] =	ssyncset.done $0x0  }
0x1f: {  	s18 =	simm.s32 $0x200;
	[sflag:s14] =	ssyncadd.s32 $0xFFFF8000  }
0x20: {  	[tilespmem:s10], [sflag:$0x1] =	stream.indirect.gather [hbm4b:s3+s12], $0x80, s18, s12, $0xb8;
	[tilespmem:$0x12000] =	vst v63  }
0x21: {  	s17 =	sadd.s32 $0x1000, s17  }
0x22: {  	[hbm4b:s17+s2] =	stream.linear.scatter [tilespmem:s13], [sflag:$0x3], $0x8000, $0x38;
	[tilespmem:$0x12000] =	vst v63  }
0x23: {  	_ =	swait.ge [sflag:s9], $0x8000  }
0x24: {  	s18 =	simm.s32 $0x100;
	s17 =	simm.s32 $0x2000;
	[sflag:s9] =	ssyncset.done $0x0  }
.LBB2_2:
0x25: {  	p0 =	sne.s32 s17, $0x1C000;
	[sflag:s9] =	ssyncadd.s32 $0xFFFF8000;
	s18 =	sadd.s32 $0x200, s18  }
0x26: {  	s19 =	smov.u32 s17;
	s17 =	sadd.s32 $0x2000, s17  }
0x27: {  	_ =	swait.ge [sflag:s11], $0x8000  }
0x28: {  	[sflag:s11] =	ssyncset.done $0x0  }
0x29: {  	[sflag:s11] =	ssyncadd.s32 $0xFFFF8000  }
0x2a: {  	[tilespmem:s13], [sflag:$0x2] =	stream.indirect.gather [hbm4b:s3+s12], $0x80, s18, s12, $0xb8;
	[tilespmem:$0x12000] =	vst v63  }
0x2b: {  	s19 =	sadd.s32 s19, s8  }
0x2c: {  	[hbm4b:s19+s2] =	stream.linear.scatter [tilespmem:s10], [sflag:$0x3], $0x8000, $0x38;
	[tilespmem:$0x12000] =	vst v63  }
0x2d: {  	_ =	swait.ge [sflag:s9], $0x8000  }
0x2e: {  	[sflag:s9] =	ssyncset.done $0x0  }
0x2f: {  	[sflag:s9] =	ssyncadd.s32 $0xFFFF8000  }
0x30: {  	_ =	swait.ge [sflag:s14], $0x8000  }
0x31: {  	[sflag:s14] =	ssyncset.done $0x0  }
0x32: {  	s20 =	sadd.s32 $0x100, s18;
	[sflag:s14] =	ssyncadd.s32 $0xFFFF8000  }
0x33: {  	[tilespmem:s10], [sflag:$0x1] =	stream.indirect.gather [hbm4b:s3+s12], $0x80, s20, s12, $0xb8;
	[tilespmem:$0x12000] =	vst v63  }
.Ltmp0:
0x34: {  	_ = 	snop;
	(pc) =	sbr.rel @p0 .LBB2_2-.Ltmp0, $4  }
0x35: {  	s19 =	sadd.s32 $0x1000, s19  }
0x36: {  	[hbm4b:s19+s2] =	stream.linear.scatter [tilespmem:s13], [sflag:$0x3], $0x8000, $0x38;
	[tilespmem:$0x12000] =	vst v63  }
0x37: {  	_ =	swait.ge [sflag:s9], $0x8000  }
0x38: {  	[sflag:s9] =	ssyncset.done $0x0  }
0x39: {  	[sflag:s9] =	ssyncadd.s32 $0xFFFF8000  }
0x3a: {  	_ =	swait.ge [sflag:s11], $0x8000  }
0x3b: {  	[sflag:s11] =	ssyncset.done $0x0  }
0x3c: {  	[sflag:s11] =	ssyncadd.s32 $0xFFFF8000  }
0x3d: {  	[tilespmem:s13], [sflag:$0x2] =	stream.indirect.gather [hbm4b:s3+s12], $0x80, s15, s12, $0xb8;
	[tilespmem:$0x12000] =	vst v63  }
0x3e: {  	_ = 	snop  }
0x3f: {  	[hbm4b:s6+s2] =	stream.linear.scatter [tilespmem:s10], [sflag:$0x3], $0x8000, $0x38;
	[tilespmem:$0x12000] =	vst v63  }
0x40: {  	_ =	swait.ge [sflag:s9], $0x8000  }
0x41: {  	[sflag:s9] =	ssyncset.done $0x0  }
0x42: {  	[sflag:s9] =	ssyncadd.s32 $0xFFFF8000  }
0x43: {  	s16 =	sadd.s32 $0x1, s16;
	_ =	swait.ge [sflag:s14], $0x8000  }
0x44: {  	p0 =	sne.s32 s16, s5;
	[sflag:s14] =	ssyncset.done $0x0  }
.Ltmp1:
0x45: {  	[sflag:s14] =	ssyncadd.s32 $0xFFFF8000;
	(pc) =	sbr.rel @p0 .LBB2_1-.Ltmp1, $4  }
0x46: {  	[hbm4b:s7+s2] =	stream.linear.scatter [tilespmem:s13], [sflag:$0x3], $0x8000, $0x38;
	[tilespmem:$0x12000] =	vst v63  }
0x47: {  	_ =	swait.ge [sflag:s9], $0x8000  }
0x48: {  	[sflag:s9] =	ssyncset.done $0x0  }
0x49: {  	[sflag:s9] =	ssyncadd.s32 $0xFFFF8000  }
0x4a: {  	_ =	sfence.sel $0x180000  }
0x4b: {  	[bflag:$0x0] =	sbarrier.arrive $0xFFFF  }
0x4c: {  	p0 =	sne.s32 s1, $0x0;
	_ =	strace $0x90000047  }
0x4d: {  	s0 =	sadd.s32 @!p0 $0x100000, s0;
	[bflag:$0x2] =	sbarrier.arrive $0xFFFF  }
0x4e: {  	[sflag:s0] =	ssyncadd.tile.s32 @!p0 $0x1;
	_ =	shalt  }
.Lfunc_end2:
_tile_overlayer_lowered:
.L_overlay_start_2:
0x4f: {  	(tag) =	ssettag $0x2  }
0x50: {  	s0 =	rddreg [dreg:$0x0];
	s2 =	stileid.u32  }
0x51: {  	s1 =	rddreg [dreg:$0x1];
	p0 =	sne.s32 s2, $0x0  }
0x52: {  	s3 =	rddreg [dreg:$0x2];
	[bflag:$0x3] =	sbarrier.arrive $0xFFFF;
	s2 =	simm.s32 @!p0 $0x1C03  }
0x53: {  	[timem:s3], [sflag:s2] =	dma.local @!p0 [hbm:s0], s1  }
0x54: {  	s0 =	simm.s32 @!p0 $0x3  }
0x55: {  	_ =	swait.ge @!p0 [sflag:s0], s1  }
0x56: {  	s1 =	ssub.s32 @!p0 $0x0, s1;
	[sflag:s0] =	ssyncset.done @!p0 $0x0  }
0x57: {  	[sflag:s0] =	ssyncadd.s32 @!p0 s1  }
0x58: {  	[bflag:$0x3] =	sbarrier.arrive $0xFFFF  }
0x59: {  	_ =	shalt  }

</sc_bundles>
